<compile_context>
chip_gen: v7x
topology: tpu7x:2x2x1
jax: 0.10.2.dev20260603
libtpu: 0.0.44.dev20260713+nightly
codegen_flags: <defaults>
</compile_context>

<pallas_src>
import functools

import jax
import jax.numpy as jnp
from jax import lax
from jax.experimental import pallas as pl
from jax.experimental.pallas import tpu as pltpu
from jax.experimental.pallas import tpu_sc as plsc

CORE0_SHARE = 0.4096
NC = 2
NS = 16
NW = NC * NS
K = 128
S0 = 624
ZR = 16


def _sc_degree(dst3, n):
    c_chunks = dst3.shape[1]
    mesh = plsc.VectorSubcoreMesh(core_axis_name="c", subcore_axis_name="s")

    @functools.partial(
        pl.kernel,
        out_type=jax.ShapeDtypeStruct((NC, n, 128), jnp.float32),
        mesh=mesh,
        scratch_types=[
            pltpu.VMEM((c_chunks, K), jnp.int32),
            pltpu.VMEM((K, 128), jnp.float32),
            pltpu.VMEM((ZR, 128), jnp.float32),
            pltpu.VMEM_SHARED((n + 8, 128), jnp.float32),
        ],
    )
    def deg_kernel(dst_hbm, out_hbm, idx_v, ones_v, zbuf_v, acc_sh):
        cid = lax.axis_index("c")
        sid = lax.axis_index("s")
        wid = cid * NS + sid
        rem = n - NS * S0

        @pl.loop(0, ZR)
        def _(i):
            @pl.loop(0, 8)
            def _(j):
                zbuf_v[i, pl.ds(j * 16, 16)] = jnp.zeros((16,), jnp.float32)

        @pl.loop(0, K)
        def _(i):
            @pl.loop(0, 8)
            def _(j):
                ones_v[i, pl.ds(j * 16, 16)] = jnp.ones((16,), jnp.float32)

        @pl.loop(0, S0 // ZR)
        def _(t):
            pltpu.sync_copy(zbuf_v, acc_sh.at[pl.ds(sid * S0 + t * ZR, ZR)])

        @pl.when(sid == NS - 1)
        def _():
            pltpu.sync_copy(zbuf_v.at[pl.ds(0, rem)],
                            acc_sh.at[pl.ds(NS * S0, rem)])

        plsc.subcore_barrier()

        pltpu.sync_copy(dst_hbm.at[wid], idx_v)

        @pl.loop(0, c_chunks)
        def _(j):
            pltpu.sync_copy(ones_v, acc_sh.at[idx_v.at[j]], add=True)

        plsc.subcore_barrier()
        pltpu.sync_copy(acc_sh.at[pl.ds(sid * S0, S0)],
                        out_hbm.at[cid, pl.ds(sid * S0, S0)])

        @pl.when(sid == NS - 1)
        def _():
            pltpu.sync_copy(acc_sh.at[pl.ds(NS * S0, rem)],
                            out_hbm.at[cid, pl.ds(NS * S0, rem)])

    return deg_kernel(dst3)


def _sc_aggregate(g, src3, dst3, cnt_a, cnt_b, n):
    c_chunks = src3.shape[1]
    mesh = plsc.VectorSubcoreMesh(core_axis_name="c", subcore_axis_name="s")

    @functools.partial(
        pl.kernel,
        out_type=jax.ShapeDtypeStruct((NC, n, 128), jnp.float32),
        mesh=mesh,
        scratch_types=[
            pltpu.VMEM((c_chunks, K), jnp.int32),
            pltpu.VMEM((c_chunks, K), jnp.int32),
            pltpu.VMEM((K, 128), jnp.float32),
            pltpu.VMEM((ZR, 128), jnp.float32),
            pltpu.VMEM_SHARED((n + 8, 128), jnp.float32),
            pltpu.SemaphoreType.DMA,
        ],
    )
    def agg_kernel(g_hbm, src_hbm, dst_hbm, out_hbm,
                   idx_s, idx_d, rows_v, zbuf_v, acc_sh, sem):
        cid = lax.axis_index("c")
        sid = lax.axis_index("s")
        wid = cid * NS + sid
        rem = n - NS * S0

        @pl.loop(0, ZR)
        def _(i):
            @pl.loop(0, 8)
            def _(j):
                zbuf_v[i, pl.ds(j * 16, 16)] = jnp.zeros((16,), jnp.float32)

        @pl.loop(0, S0 // ZR)
        def _(t):
            pltpu.sync_copy(zbuf_v, acc_sh.at[pl.ds(sid * S0 + t * ZR, ZR)])

        @pl.when(sid == NS - 1)
        def _():
            pltpu.sync_copy(zbuf_v.at[pl.ds(0, rem)],
                            acc_sh.at[pl.ds(NS * S0, rem)])

        plsc.subcore_barrier()

        pltpu.sync_copy(src_hbm.at[wid], idx_s)
        pltpu.sync_copy(dst_hbm.at[wid], idx_d)
        my_count = jnp.where(cid == 0, cnt_a, cnt_b)

        @pl.loop(0, c_chunks)
        def _(j):
            @pl.when(j < my_count)
            def _():
                pltpu.async_copy(g_hbm.at[idx_s.at[j]], rows_v, sem).wait()
                pltpu.sync_copy(rows_v, acc_sh.at[idx_d.at[j]], add=True)

        plsc.subcore_barrier()
        pltpu.sync_copy(acc_sh.at[pl.ds(sid * S0, S0)],
                        out_hbm.at[cid, pl.ds(sid * S0, S0)])

        @pl.when(sid == NS - 1)
        def _():
            pltpu.sync_copy(acc_sh.at[pl.ds(NS * S0, rem)],
                            out_hbm.at[cid, pl.ds(NS * S0, rem)])

    return agg_kernel(g, src3, dst3)


IB = 1000


def _tc_matmul(x, w):
    m, k = x.shape
    h = w.shape[1]

    def body(x_ref, w_ref, o_ref):
        o_ref[...] = jnp.dot(x_ref[...], w_ref[...],
                             preferred_element_type=jnp.float32)

    return pl.pallas_call(
        body,
        grid=(m // IB,),
        in_specs=[pl.BlockSpec((IB, k), lambda i: (i, 0)),
                  pl.BlockSpec((k, h), lambda i: (0, 0))],
        out_specs=pl.BlockSpec((IB, h), lambda i: (i, 0)),
        out_shape=jax.ShapeDtypeStruct((m, h), jnp.float32),
    )(x, w)


def _tc_dinv_g(degp, h1):
    n, f = h1.shape

    def body(d_ref, h_ref, dinv_ref, g_ref):
        deg = d_ref[0, :, 0:1] + d_ref[1, :, 0:1] + 1.0
        dv = lax.rsqrt(deg)
        dinv_ref[...] = dv
        g_ref[...] = h_ref[...] * dv

    return pl.pallas_call(
        body,
        grid=(n // IB,),
        in_specs=[pl.BlockSpec((NC, IB, 128), lambda i: (0, i, 0)),
                  pl.BlockSpec((IB, f), lambda i: (i, 0))],
        out_specs=[pl.BlockSpec((IB, 1), lambda i: (i, 0)),
                   pl.BlockSpec((IB, f), lambda i: (i, 0))],
        out_shape=[jax.ShapeDtypeStruct((n, 1), jnp.float32),
                   jax.ShapeDtypeStruct((n, f), jnp.float32)],
    )(degp, h1)


def _tc_layer(accp, h, dinv, b2d, w_next):
    n, f = h.shape
    h_out = w_next.shape[1]

    def body(a_ref, h_ref, d_ref, b_ref, w_ref, hn_ref, gn_ref):
        dv = d_ref[...]
        z = dv * (a_ref[0] + a_ref[1]) + dv * dv * h_ref[...] + b_ref[...]
        r = jnp.maximum(z, 0.0)
        hn = jnp.dot(r, w_ref[...], preferred_element_type=jnp.float32)
        hn_ref[...] = hn
        gn_ref[...] = hn * dv

    return pl.pallas_call(
        body,
        grid=(n // IB,),
        in_specs=[pl.BlockSpec((NC, IB, f), lambda i: (0, i, 0)),
                  pl.BlockSpec((IB, f), lambda i: (i, 0)),
                  pl.BlockSpec((IB, 1), lambda i: (i, 0)),
                  pl.BlockSpec((1, f), lambda i: (0, 0)),
                  pl.BlockSpec((f, h_out), lambda i: (0, 0))],
        out_specs=[pl.BlockSpec((IB, h_out), lambda i: (i, 0)),
                   pl.BlockSpec((IB, h_out), lambda i: (i, 0))],
        out_shape=[jax.ShapeDtypeStruct((n, h_out), jnp.float32),
                   jax.ShapeDtypeStruct((n, h_out), jnp.float32)],
    )(accp, h, dinv, b2d, w_next)


def _tc_final(accp, h, dinv, b2d, batch3d, wdc, bdc2d, num_graphs):
    n, f = h.shape
    out_dim = wdc.shape[1]
    steps = n // IB

    def body(a_ref, h_ref, d_ref, b_ref, bat_ref, wdc_ref, bdc_ref,
             o_ref, sums_s, cnts_s):
        i = pl.program_id(0)

        @pl.when(i == 0)
        def _():
            sums_s[...] = jnp.zeros_like(sums_s)
            cnts_s[...] = jnp.zeros_like(cnts_s)

        dv = d_ref[...]
        z = dv * (a_ref[0] + a_ref[1]) + dv * dv * h_ref[...] + b_ref[...]
        seg = lax.broadcasted_iota(jnp.int32, (num_graphs, IB), 0)
        m_t = jnp.where(seg == jnp.broadcast_to(bat_ref[0], (num_graphs, IB)),
                        1.0, 0.0).astype(jnp.float32)
        sums_s[...] += jnp.dot(m_t, z, preferred_element_type=jnp.float32)
        cnts_s[...] += jnp.sum(m_t, axis=1, keepdims=True)

        @pl.when(i == steps - 1)
        def _():
            pooled = sums_s[...] / jnp.maximum(cnts_s[...], 1.0)
            logits = jnp.dot(pooled, wdc_ref[...],
                             preferred_element_type=jnp.float32) + bdc_ref[...]
            mx = jnp.max(logits, axis=-1, keepdims=True)
            e = jnp.exp(logits - mx)
            p = e / jnp.sum(e, axis=-1, keepdims=True)
            o_ref[...] = jnp.where(p >= 0.5, 1.0, 0.0).astype(jnp.float32)

    return pl.pallas_call(
        body,
        grid=(steps,),
        in_specs=[pl.BlockSpec((NC, IB, f), lambda i: (0, i, 0)),
                  pl.BlockSpec((IB, f), lambda i: (i, 0)),
                  pl.BlockSpec((IB, 1), lambda i: (i, 0)),
                  pl.BlockSpec((1, f), lambda i: (0, 0)),
                  pl.BlockSpec((1, 1, IB), lambda i: (i, 0, 0)),
                  pl.BlockSpec((f, out_dim), lambda i: (0, 0)),
                  pl.BlockSpec((1, out_dim), lambda i: (0, 0))],
        out_specs=pl.BlockSpec((num_graphs, out_dim), lambda i: (0, 0)),
        out_shape=jax.ShapeDtypeStruct((num_graphs, out_dim), jnp.float32),
        scratch_shapes=[pltpu.VMEM((num_graphs, f), jnp.float32),
                        pltpu.VMEM((num_graphs, 1), jnp.float32)],
    )(accp, h, dinv, b2d, batch3d, wdc, bdc2d)


def kernel(x, edge_index, batch, W1, b1, W2, b2, W3, b3, Wdc, bdc):
    n = x.shape[0]
    e = edge_index.shape[1]
    num_graphs = 64

    src = edge_index[0]
    dst = edge_index[1]
    t_chunks = -(-e // K)
    a = int(round(t_chunks * CORE0_SHARE / NS))
    b = -(-max(t_chunks - NS * a, 0) // NS)
    cmax = max(a, b, 1)
    e_pad = NS * (a + b) * K
    pad = e_pad - e
    src_p = jnp.concatenate([src, jnp.zeros((pad,), jnp.int32)])
    dst_p = jnp.concatenate([dst, jnp.full((pad,), n, jnp.int32)])

    def worker_layout(flat, fill):
        pa = flat[:NS * a * K].reshape(NS, a, K)
        pb = flat[NS * a * K:].reshape(NS, b, K)
        fa = jnp.full((NS, cmax - a, K), fill, jnp.int32)
        fb = jnp.full((NS, cmax - b, K), fill, jnp.int32)
        return jnp.concatenate(
            [jnp.concatenate([pa, fa], axis=1),
             jnp.concatenate([pb, fb], axis=1)], axis=0)

    src3 = worker_layout(src_p, 0)
    dst3 = worker_layout(dst_p, n)

    c_deg = -(-e // (NW * K))
    pad_d = NW * K * c_deg - e
    dst3d = jnp.concatenate([dst, jnp.full((pad_d,), n, jnp.int32)])
    dst3d = dst3d.reshape(NW, c_deg, K)

    b1_2d = b1.reshape(1, -1)
    b2_2d = b2.reshape(1, -1)
    b3_2d = b3.reshape(1, -1)
    bdc2d = bdc.reshape(1, -1)
    batch3d = batch.reshape(n // IB, 1, IB)

    degp = _sc_degree(dst3d, n)
    h1 = _tc_matmul(x, W1)
    dinv, g1 = _tc_dinv_g(degp, h1)

    acc1 = _sc_aggregate(g1, src3, dst3, a, b, n)
    h2, g2 = _tc_layer(acc1, h1, dinv, b1_2d, W2)

    acc2 = _sc_aggregate(g2, src3, dst3, a, b, n)
    h3, g3 = _tc_layer(acc2, h2, dinv, b2_2d, W3)

    acc3 = _sc_aggregate(g3, src3, dst3, a, b, n)
    return _tc_final(acc3, h3, dinv, b3_2d, batch3d, Wdc, bdc2d, num_graphs)

# --- scband reference (transcript-rebuilt; emitter-appended) ---
"""Pipeline reference for scband-gcn-38491496907445 (READ-ONLY COPY).

The authoritative reference and input builder live on the scoring server;
editing this copy changes nothing except your own understanding.
"""

import jax, jax.numpy as jnp
import numpy as np

N = 10000
E = 320000
F_IN = 128
H = 128
OUT = 512
G = 64


def setup_inputs(seed: int = 0) -> dict:
    key = jax.random.key(seed)
    ks = jax.random.split(key, 12)
    x = jax.random.normal(ks[0], (N, F_IN), dtype=jnp.float32)
    edge_index = jax.random.randint(ks[1], (2, E), 0, N, dtype=jnp.int32)
    batch = jnp.sort(jax.random.randint(ks[2], (N,), 0, G, dtype=jnp.int32))
    W1 = jax.random.normal(ks[3], (F_IN, H), dtype=jnp.float32) / np.sqrt(F_IN)
    b1 = jnp.zeros((H,), dtype=jnp.float32)
    W2 = jax.random.normal(ks[4], (H, H), dtype=jnp.float32) / np.sqrt(H)
    b2 = jnp.zeros((H,), dtype=jnp.float32)
    W3 = jax.random.normal(ks[5], (H, H), dtype=jnp.float32) / np.sqrt(H)
    b3 = jnp.zeros((H,), dtype=jnp.float32)
    Wdc = jax.random.normal(ks[6], (H, OUT), dtype=jnp.float32) / np.sqrt(H)
    bdc = jnp.zeros((OUT,), dtype=jnp.float32)
    return {"x": x, "edge_index": edge_index, "batch": batch,
            "W1": W1, "b1": b1, "W2": W2, "b2": b2, "W3": W3, "b3": b3,
            "Wdc": Wdc, "bdc": bdc}


def gcn_conv(x, edge_index, W, b):
    # GCNConv: symmetric normalization with added self-loops
    n = x.shape[0]
    loop = jnp.arange(n, dtype=edge_index.dtype)
    src = jnp.concatenate([edge_index[0], loop])
    dst = jnp.concatenate([edge_index[1], loop])
    deg = jnp.zeros((n,), dtype=x.dtype).at[dst].add(1.0)
    dinv = jnp.where(deg > 0, deg ** -0.5, 0.0)
    norm = dinv[src] * dinv[dst]
    h = x @ W
    msg = h[src] * norm[:, None]
    out = jnp.zeros_like(h).at[dst].add(msg)
    return out + b


def reference(x, edge_index, batch, W1, b1, W2, b2, W3, b3, Wdc, bdc):
    h = jax.nn.relu(gcn_conv(x, edge_index, W1, b1))
    h = jax.nn.relu(gcn_conv(h, edge_index, W2, b2))
    h = gcn_conv(h, edge_index, W3, b3)
    # global_mean_pool over graph assignment
    sums = jax.ops.segment_sum(h, batch, num_segments=G)
    counts = jax.ops.segment_sum(jnp.ones((h.shape[0],), dtype=h.dtype), batch, num_segments=G)
    pooled = sums / jnp.maximum(counts, 1.0)[:, None]
    # dropout is a no-op in eval mode
    logits = pooled @ Wdc + bdc
    p = jax.nn.softmax(logits, axis=-1)
    out = jnp.where(p >= 0.5, 1.0, 0.0).astype(jnp.float32)
    return out

if __name__ == "__main__":
    import jax
    _d = setup_inputs()
    print(jax.jit(kernel)(*tuple(_d.values())))

</pallas_src>

<mosaic_0001>
#map = affine_map<(d0, d1) -> (0, 0)>
#map1 = affine_map<(d0, d1) -> (0, 0, 0)>
module attributes {stable_mosaic.version = 14 : i64} {
  func.func @agg_kernel(%arg0: i32, %arg1: i32, %arg2: memref<10000x128xf32, #tpu.memory_space<hbm>>, %arg3: memref<32x93x128xi32, #tpu.memory_space<hbm>>, %arg4: memref<32x93x128xi32, #tpu.memory_space<hbm>>, %arg5: memref<2x10000x128xf32, #tpu.memory_space<hbm>>, %arg6: memref<93x128xi32, #tpu.memory_space<vmem>>, %arg7: memref<93x128xi32, #tpu.memory_space<vmem>>, %arg8: memref<128x128xf32, #tpu.memory_space<vmem>>, %arg9: memref<16x128xf32, #tpu.memory_space<vmem>>, %arg10: memref<10008x128xf32, #tpu.memory_space<vmem_shared>>, %arg11: memref<!tpu.dma_semaphore, #tpu.memory_space<semaphore_mem>>) attributes {dimension_semantics = [#tpu.dimension_semantics<core_parallel>, #tpu.dimension_semantics<subcore_parallel>], iteration_bounds = array<i64: 2, 16>, scalar_prefetch = 0 : i64, scratch_operands = 6 : i64, tpu.core_type = #tpu.core_type<sc_vector_subcore>, window_params = [{transform_indices = #map}, {transform_indices = #map1}, {transform_indices = #map1}, {transform_indices = #map1}]} {
    %mul3A = arith.constant 16 : i32
    %mul3A_0 = arith.muli %arg0, %mul3A : i32
    %add3A = arith.addi %mul3A_0, %arg1 : i32
    %scan3A = arith.constant 0 : i32
    %scan3A_1 = arith.constant 16 : i32
    %scan3A_2 = arith.addi %scan3A, %scan3A_1 : i32
    %scan3A_3 = arith.constant 1 : i32
    scf.for %scan3A_30 = %scan3A to %scan3A_2 step %scan3A_3  : i32 {
      %mul3A_31 = arith.constant 1 : i32
      %mul3A_32 = arith.muli %scan3A_30, %mul3A_31 : i32
      %add3A_33 = arith.constant 0 : i32
      %add3A_34 = arith.addi %add3A_33, %mul3A_32 : i32
      %scan3A_35 = arith.constant 0 : i32
      %scan3A_36 = arith.constant 8 : i32
      %scan3A_37 = arith.addi %scan3A_35, %scan3A_36 : i32
      %scan3A_38 = arith.constant 1 : i32
      scf.for %scan3A_40 = %scan3A_35 to %scan3A_37 step %scan3A_38  : i32 {
        %mul3A_41 = arith.constant 1 : i32
        %mul3A_42 = arith.muli %scan3A_40, %mul3A_41 : i32
        %add3A_43 = arith.constant 0 : i32
        %add3A_44 = arith.addi %add3A_43, %mul3A_42 : i32
        %broadcast_in_dim3A = arith.constant 0.000000e+00 : f32
        %broadcast_in_dim3A_45 = vector.broadcast %broadcast_in_dim3A : f32 to vector<16xf32>
        %mul3A_46 = arith.constant 16 : i32
        %mul3A_47 = arith.muli %add3A_44, %mul3A_46 : i32
        %swap3A = arith.index_cast %add3A_34 : i32 to index
        %swap3A_48 = arith.index_cast %mul3A_47 : i32 to index
        %swap3A_49 = tpu.vector_load %arg9[%swap3A, %swap3A_48] {strides = array<i32>} : memref<16x128xf32, #tpu.memory_space<vmem>>, vector<1x16xf32>,
        %swap3A_50 = vector.shape_cast %swap3A_49 : vector<1x16xf32> to vector<16xf32>
        %swap3A_51 = vector.shape_cast %broadcast_in_dim3A_45 : vector<16xf32> to vector<1x16xf32>
        tpu.vector_store %arg9[%swap3A, %swap3A_48], %swap3A_51 {strides = array<i32>} : memref<16x128xf32, #tpu.memory_space<vmem>>, vector<1x16xf32>,
      }
      %scan3A_39 = arith.constant 8 : i32
    }
    %scan3A_4 = arith.constant 16 : i32
    %scan3A_5 = arith.constant 0 : i32
    %scan3A_6 = arith.constant 39 : i32
    %scan3A_7 = arith.addi %scan3A_5, %scan3A_6 : i32
    %scan3A_8 = arith.constant 1 : i32
    scf.for %scan3A_30 = %scan3A_5 to %scan3A_7 step %scan3A_8  : i32 {
      %mul3A_31 = arith.constant 1 : i32
      %mul3A_32 = arith.muli %scan3A_30, %mul3A_31 : i32
      %add3A_33 = arith.constant 0 : i32
      %add3A_34 = arith.addi %add3A_33, %mul3A_32 : i32
      %mul3A_35 = arith.constant 624 : i32
      %mul3A_36 = arith.muli %arg1, %mul3A_35 : i32
      %mul3A_37 = arith.constant 16 : i32
      %mul3A_38 = arith.muli %add3A_34, %mul3A_37 : i32
      %add3A_39 = arith.addi %mul3A_36, %mul3A_38 : i32
      "tpu.region"() ({
        %run_scoped3A = tpu.sem_alloc : memref<!tpu.dma_semaphore, #tpu.memory_space<semaphore_mem>>
        %dma_start3A = arith.constant 0 : i32
        %dma_start3A_40 = tpu.memref_slice %arg10[%add3A_39, %dma_start3A] : memref<10008x128xf32, #tpu.memory_space<vmem_shared>> -> memref<16x128xf32, #tpu.memory_space<vmem_shared>>
        %dma_start3A_41 = arith.constant 0 : i32
        %dma_start3A_42 = tpu.memref_slice %arg10[%add3A_39, %dma_start3A_41] : memref<10008x128xf32, #tpu.memory_space<vmem_shared>> -> memref<16x128xf32, #tpu.memory_space<vmem_shared>>
        tpu.enqueue_dma source(%arg9 : memref<16x128xf32, #tpu.memory_space<vmem>>) target(%dma_start3A_42 : memref<16x128xf32, #tpu.memory_space<vmem_shared>>) target_semaphore(%run_scoped3A : memref<!tpu.dma_semaphore, #tpu.memory_space<semaphore_mem>>)
        %dma_wait3A = arith.constant 0 : i32
        %dma_wait3A_43 = tpu.memref_slice %arg10[%add3A_39, %dma_wait3A] : memref<10008x128xf32, #tpu.memory_space<vmem_shared>> -> memref<16x128xf32, #tpu.memory_space<vmem_shared>>
        %dma_wait3A_44 = arith.constant 0 : i32
        %dma_wait3A_45 = tpu.memref_slice %arg10[%add3A_39, %dma_wait3A_44] : memref<10008x128xf32, #tpu.memory_space<vmem_shared>> -> memref<16x128xf32, #tpu.memory_space<vmem_shared>>
        tpu.wait_dma2 semaphore(%run_scoped3A : memref<!tpu.dma_semaphore, #tpu.memory_space<semaphore_mem>>) src(%arg9 : memref<16x128xf32, #tpu.memory_space<vmem>>) dst(%dma_wait3A_45 : memref<16x128xf32, #tpu.memory_space<vmem_shared>>)
        tpu.yield
      }) : () -> ()
    }
    %scan3A_9 = arith.constant 39 : i32
    %eq3A = arith.constant 15 : i32
    %eq3A_10 = arith.cmpi eq, %arg1, %eq3A : i32
    %convert_element_type3A = arith.extui %eq3A_10 : i1 to i32
    %cond3A = arith.constant 0 : i32
    %cond3A_11 = arith.cmpi ne, %convert_element_type3A, %cond3A : i32
    scf.if %cond3A_11 {
      "tpu.region"() ({
        %run_scoped3A = tpu.sem_alloc : memref<!tpu.dma_semaphore, #tpu.memory_space<semaphore_mem>>
        %dma_start3A = arith.constant 0 : i32
        %dma_start3A_30 = arith.constant 0 : i32
        %dma_start3A_31 = tpu.memref_slice %arg9[%dma_start3A, %dma_start3A_30] : memref<16x128xf32, #tpu.memory_space<vmem>> -> memref<16x128xf32, #tpu.memory_space<vmem>>
        %dma_start3A_32 = arith.constant 9984 : i32
        %dma_start3A_33 = arith.constant 0 : i32
        %dma_start3A_34 = tpu.memref_slice %arg10[%dma_start3A_32, %dma_start3A_33] : memref<10008x128xf32, #tpu.memory_space<vmem_shared>> -> memref<16x128xf32, #tpu.memory_space<vmem_shared>>
        %dma_start3A_35 = arith.constant 9984 : i32
        %dma_start3A_36 = arith.constant 0 : i32
        %dma_start3A_37 = tpu.memref_slice %arg10[%dma_start3A_35, %dma_start3A_36] : memref<10008x128xf32, #tpu.memory_space<vmem_shared>> -> memref<16x128xf32, #tpu.memory_space<vmem_shared>>
        %dma_start3A_38 = arith.constant 0 : i32
        %dma_start3A_39 = arith.constant 0 : i32
        %dma_start3A_40 = tpu.memref_slice %arg9[%dma_start3A_38, %dma_start3A_39] : memref<16x128xf32, #tpu.memory_space<vmem>> -> memref<16x128xf32, #tpu.memory_space<vmem>>
        tpu.enqueue_dma source(%dma_start3A_40 : memref<16x128xf32, #tpu.memory_space<vmem>>) target(%dma_start3A_37 : memref<16x128xf32, #tpu.memory_space<vmem_shared>>) target_semaphore(%run_scoped3A : memref<!tpu.dma_semaphore, #tpu.memory_space<semaphore_mem>>)
        %dma_wait3A = arith.constant 0 : i32
        %dma_wait3A_41 = arith.constant 0 : i32
        %dma_wait3A_42 = tpu.memref_slice %arg9[%dma_wait3A, %dma_wait3A_41] : memref<16x128xf32, #tpu.memory_space<vmem>> -> memref<16x128xf32, #tpu.memory_space<vmem>>
        %dma_wait3A_43 = arith.constant 9984 : i32
        %dma_wait3A_44 = arith.constant 0 : i32
        %dma_wait3A_45 = tpu.memref_slice %arg10[%dma_wait3A_43, %dma_wait3A_44] : memref<10008x128xf32, #tpu.memory_space<vmem_shared>> -> memref<16x128xf32, #tpu.memory_space<vmem_shared>>
        %dma_wait3A_46 = arith.constant 9984 : i32
        %dma_wait3A_47 = arith.constant 0 : i32
        %dma_wait3A_48 = tpu.memref_slice %arg10[%dma_wait3A_46, %dma_wait3A_47] : memref<10008x128xf32, #tpu.memory_space<vmem_shared>> -> memref<16x128xf32, #tpu.memory_space<vmem_shared>>
        %dma_wait3A_49 = arith.constant 0 : i32
        %dma_wait3A_50 = arith.constant 0 : i32
        %dma_wait3A_51 = tpu.memref_slice %arg9[%dma_wait3A_49, %dma_wait3A_50] : memref<16x128xf32, #tpu.memory_space<vmem>> -> memref<16x128xf32, #tpu.memory_space<vmem>>
        tpu.wait_dma2 semaphore(%run_scoped3A : memref<!tpu.dma_semaphore, #tpu.memory_space<semaphore_mem>>) src(%dma_wait3A_51 : memref<16x128xf32, #tpu.memory_space<vmem>>) dst(%dma_wait3A_48 : memref<16x128xf32, #tpu.memory_space<vmem_shared>>)
        tpu.yield
      }) : () -> ()
    } else {
    }
    %barrier3A = arith.constant 0 : index
    tpu.barrier barrier_id(%barrier3A)
    "tpu.region"() ({
      %run_scoped3A = tpu.sem_alloc : memref<!tpu.dma_semaphore, #tpu.memory_space<semaphore_mem>>
      %dma_start3A = arith.constant 0 : i32
      %dma_start3A_30 = arith.constant 0 : i32
      %dma_start3A_31 = tpu.memref_slice %arg3[%add3A, %dma_start3A, %dma_start3A_30] : memref<32x93x128xi32, #tpu.memory_space<hbm>> -> memref<1x93x128xi32, #tpu.memory_space<hbm>>
      %dma_start3A_32 = tpu.memref_squeeze %dma_start3A_31 : memref<1x93x128xi32, #tpu.memory_space<hbm>> -> memref<93x128xi32, #tpu.memory_space<hbm>>
      %dma_start3A_33 = arith.constant 0 : i32
      %dma_start3A_34 = arith.constant 0 : i32
      %dma_start3A_35 = tpu.memref_slice %arg3[%add3A, %dma_start3A_33, %dma_start3A_34] : memref<32x93x128xi32, #tpu.memory_space<hbm>> -> memref<1x93x128xi32, #tpu.memory_space<hbm>>
      %dma_start3A_36 = tpu.memref_squeeze %dma_start3A_35 : memref<1x93x128xi32, #tpu.memory_space<hbm>> -> memref<93x128xi32, #tpu.memory_space<hbm>>
      tpu.enqueue_dma source(%dma_start3A_36 : memref<93x128xi32, #tpu.memory_space<hbm>>) target(%arg6 : memref<93x128xi32, #tpu.memory_space<vmem>>) target_semaphore(%run_scoped3A : memref<!tpu.dma_semaphore, #tpu.memory_space<semaphore_mem>>)
      %dma_wait3A = arith.constant 0 : i32
      %dma_wait3A_37 = arith.constant 0 : i32
      %dma_wait3A_38 = tpu.memref_slice %arg3[%add3A, %dma_wait3A, %dma_wait3A_37] : memref<32x93x128xi32, #tpu.memory_space<hbm>> -> memref<1x93x128xi32, #tpu.memory_space<hbm>>
      %dma_wait3A_39 = tpu.memref_squeeze %dma_wait3A_38 : memref<1x93x128xi32, #tpu.memory_space<hbm>> -> memref<93x128xi32, #tpu.memory_space<hbm>>
      %dma_wait3A_40 = arith.constant 0 : i32
      %dma_wait3A_41 = arith.constant 0 : i32
      %dma_wait3A_42 = tpu.memref_slice %arg3[%add3A, %dma_wait3A_40, %dma_wait3A_41] : memref<32x93x128xi32, #tpu.memory_space<hbm>> -> memref<1x93x128xi32, #tpu.memory_space<hbm>>
      %dma_wait3A_43 = tpu.memref_squeeze %dma_wait3A_42 : memref<1x93x128xi32, #tpu.memory_space<hbm>> -> memref<93x128xi32, #tpu.memory_space<hbm>>
      tpu.wait_dma2 semaphore(%run_scoped3A : memref<!tpu.dma_semaphore, #tpu.memory_space<semaphore_mem>>) src(%dma_wait3A_43 : memref<93x128xi32, #tpu.memory_space<hbm>>) dst(%arg6 : memref<93x128xi32, #tpu.memory_space<vmem>>)
      tpu.yield
    }) : () -> ()
    "tpu.region"() ({
      %run_scoped3A = tpu.sem_alloc : memref<!tpu.dma_semaphore, #tpu.memory_space<semaphore_mem>>
      %dma_start3A = arith.constant 0 : i32
      %dma_start3A_30 = arith.constant 0 : i32
      %dma_start3A_31 = tpu.memref_slice %arg4[%add3A, %dma_start3A, %dma_start3A_30] : memref<32x93x128xi32, #tpu.memory_space<hbm>> -> memref<1x93x128xi32, #tpu.memory_space<hbm>>
      %dma_start3A_32 = tpu.memref_squeeze %dma_start3A_31 : memref<1x93x128xi32, #tpu.memory_space<hbm>> -> memref<93x128xi32, #tpu.memory_space<hbm>>
      %dma_start3A_33 = arith.constant 0 : i32
      %dma_start3A_34 = arith.constant 0 : i32
      %dma_start3A_35 = tpu.memref_slice %arg4[%add3A, %dma_start3A_33, %dma_start3A_34] : memref<32x93x128xi32, #tpu.memory_space<hbm>> -> memref<1x93x128xi32, #tpu.memory_space<hbm>>
      %dma_start3A_36 = tpu.memref_squeeze %dma_start3A_35 : memref<1x93x128xi32, #tpu.memory_space<hbm>> -> memref<93x128xi32, #tpu.memory_space<hbm>>
      tpu.enqueue_dma source(%dma_start3A_36 : memref<93x128xi32, #tpu.memory_space<hbm>>) target(%arg7 : memref<93x128xi32, #tpu.memory_space<vmem>>) target_semaphore(%run_scoped3A : memref<!tpu.dma_semaphore, #tpu.memory_space<semaphore_mem>>)
      %dma_wait3A = arith.constant 0 : i32
      %dma_wait3A_37 = arith.constant 0 : i32
      %dma_wait3A_38 = tpu.memref_slice %arg4[%add3A, %dma_wait3A, %dma_wait3A_37] : memref<32x93x128xi32, #tpu.memory_space<hbm>> -> memref<1x93x128xi32, #tpu.memory_space<hbm>>
      %dma_wait3A_39 = tpu.memref_squeeze %dma_wait3A_38 : memref<1x93x128xi32, #tpu.memory_space<hbm>> -> memref<93x128xi32, #tpu.memory_space<hbm>>
      %dma_wait3A_40 = arith.constant 0 : i32
      %dma_wait3A_41 = arith.constant 0 : i32
      %dma_wait3A_42 = tpu.memref_slice %arg4[%add3A, %dma_wait3A_40, %dma_wait3A_41] : memref<32x93x128xi32, #tpu.memory_space<hbm>> -> memref<1x93x128xi32, #tpu.memory_space<hbm>>
      %dma_wait3A_43 = tpu.memref_squeeze %dma_wait3A_42 : memref<1x93x128xi32, #tpu.memory_space<hbm>> -> memref<93x128xi32, #tpu.memory_space<hbm>>
      tpu.wait_dma2 semaphore(%run_scoped3A : memref<!tpu.dma_semaphore, #tpu.memory_space<semaphore_mem>>) src(%dma_wait3A_43 : memref<93x128xi32, #tpu.memory_space<hbm>>) dst(%arg7 : memref<93x128xi32, #tpu.memory_space<vmem>>)
      tpu.yield
    }) : () -> ()
    %eq3A_12 = arith.constant 0 : i32
    %eq3A_13 = arith.cmpi eq, %arg0, %eq3A_12 : i32
    %jit3A = arith.constant 64 : i32
    %jit3A_14 = arith.constant 93 : i32
    %select_n3A = arith.select %eq3A_13, %jit3A, %jit3A_14 : i32
    %scan3A_15 = arith.constant 0 : i32
    %scan3A_16 = arith.constant 93 : i32
    %scan3A_17 = arith.addi %scan3A_15, %scan3A_16 : i32
    %scan3A_18 = arith.constant 1 : i32
    scf.for %scan3A_30 = %scan3A_15 to %scan3A_17 step %scan3A_18  : i32 {
      %mul3A_31 = arith.constant 1 : i32
      %mul3A_32 = arith.muli %scan3A_30, %mul3A_31 : i32
      %add3A_33 = arith.constant 0 : i32
      %add3A_34 = arith.addi %add3A_33, %mul3A_32 : i32
      %lt3A = arith.cmpi slt, %add3A_34, %select_n3A : i32
      %convert_element_type3A_35 = arith.extui %lt3A : i1 to i32
      %cond3A_36 = arith.constant 0 : i32
      %cond3A_37 = arith.cmpi ne, %convert_element_type3A_35, %cond3A_36 : i32
      scf.if %cond3A_37 {
        %dma_start3A = arith.constant 0 : i32
        %dma_start3A_38 = tpu.memref_slice %arg6[%add3A_34, %dma_start3A] : memref<93x128xi32, #tpu.memory_space<vmem>> -> memref<1x128xi32, #tpu.memory_space<vmem>>
        %dma_start3A_39 = tpu.memref_squeeze %dma_start3A_38 : memref<1x128xi32, #tpu.memory_space<vmem>> -> memref<128xi32, #tpu.memory_space<vmem>>
        %dma_start3A_40 = arith.constant 0 : i32
        %dma_start3A_41 = arith.constant 0 : i32
        %dma_start3A_42 = tpu.memref_slice %arg2[%dma_start3A_40, %dma_start3A_41] : memref<10000x128xf32, #tpu.memory_space<hbm>> -> memref<10000x128xf32, #tpu.memory_space<hbm>>
        tpu.enqueue_indirect_dma source(%dma_start3A_42 : memref<10000x128xf32, #tpu.memory_space<hbm>>) target(%arg8 : memref<128x128xf32, #tpu.memory_space<vmem>>) offsets(%dma_start3A_39 : memref<128xi32, #tpu.memory_space<vmem>>) semaphore(%arg11 : memref<!tpu.dma_semaphore, #tpu.memory_space<semaphore_mem>>)
        %dma_wait3A = arith.constant 0 : i32
        %dma_wait3A_43 = tpu.memref_slice %arg6[%add3A_34, %dma_wait3A] : memref<93x128xi32, #tpu.memory_space<vmem>> -> memref<1x128xi32, #tpu.memory_space<vmem>>
        %dma_wait3A_44 = tpu.memref_squeeze %dma_wait3A_43 : memref<1x128xi32, #tpu.memory_space<vmem>> -> memref<128xi32, #tpu.memory_space<vmem>>
        %dma_wait3A_45 = arith.constant 0 : i32
        %dma_wait3A_46 = arith.constant 0 : i32
        %dma_wait3A_47 = tpu.memref_slice %arg2[%dma_wait3A_45, %dma_wait3A_46] : memref<10000x128xf32, #tpu.memory_space<hbm>> -> memref<10000x128xf32, #tpu.memory_space<hbm>>
        tpu.wait_indirect_dma semaphore(%arg11 : memref<!tpu.dma_semaphore, #tpu.memory_space<semaphore_mem>>) src(%dma_wait3A_47 : memref<10000x128xf32, #tpu.memory_space<hbm>>) dst(%arg8 : memref<128x128xf32, #tpu.memory_space<vmem>>)
        "tpu.region"() ({
          %run_scoped3A = tpu.sem_alloc : memref<!tpu.dma_semaphore, #tpu.memory_space<semaphore_mem>>
          %dma_start3A_48 = arith.constant 0 : i32
          %dma_start3A_49 = tpu.memref_slice %arg7[%add3A_34, %dma_start3A_48] : memref<93x128xi32, #tpu.memory_space<vmem>> -> memref<1x128xi32, #tpu.memory_space<vmem>>
          %dma_start3A_50 = tpu.memref_squeeze %dma_start3A_49 : memref<1x128xi32, #tpu.memory_space<vmem>> -> memref<128xi32, #tpu.memory_space<vmem>>
          %dma_start3A_51 = arith.constant 0 : i32
          %dma_start3A_52 = arith.constant 0 : i32
          %dma_start3A_53 = tpu.memref_slice %arg10[%dma_start3A_51, %dma_start3A_52] : memref<10008x128xf32, #tpu.memory_space<vmem_shared>> -> memref<10008x128xf32, #tpu.memory_space<vmem_shared>>
          tpu.enqueue_indirect_dma source(%arg8 : memref<128x128xf32, #tpu.memory_space<vmem>>) target(%dma_start3A_53 : memref<10008x128xf32, #tpu.memory_space<vmem_shared>>) offsets(%dma_start3A_50 : memref<128xi32, #tpu.memory_space<vmem>>) semaphore(%run_scoped3A : memref<!tpu.dma_semaphore, #tpu.memory_space<semaphore_mem>>) {add = true}
          %dma_wait3A_54 = arith.constant 0 : i32
          %dma_wait3A_55 = tpu.memref_slice %arg7[%add3A_34, %dma_wait3A_54] : memref<93x128xi32, #tpu.memory_space<vmem>> -> memref<1x128xi32, #tpu.memory_space<vmem>>
          %dma_wait3A_56 = tpu.memref_squeeze %dma_wait3A_55 : memref<1x128xi32, #tpu.memory_space<vmem>> -> memref<128xi32, #tpu.memory_space<vmem>>
          %dma_wait3A_57 = arith.constant 0 : i32
          %dma_wait3A_58 = arith.constant 0 : i32
          %dma_wait3A_59 = tpu.memref_slice %arg10[%dma_wait3A_57, %dma_wait3A_58] : memref<10008x128xf32, #tpu.memory_space<vmem_shared>> -> memref<10008x128xf32, #tpu.memory_space<vmem_shared>>
          tpu.wait_indirect_dma semaphore(%run_scoped3A : memref<!tpu.dma_semaphore, #tpu.memory_space<semaphore_mem>>) src(%arg8 : memref<128x128xf32, #tpu.memory_space<vmem>>) dst(%dma_wait3A_59 : memref<10008x128xf32, #tpu.memory_space<vmem_shared>>)
          tpu.yield
        }) : () -> ()
      } else {
      }
    }
    %scan3A_19 = arith.constant 93 : i32
    %barrier3A_20 = arith.constant 0 : index
    tpu.barrier barrier_id(%barrier3A_20)
    %mul3A_21 = arith.constant 624 : i32
    %mul3A_22 = arith.muli %arg1, %mul3A_21 : i32
    %mul3A_23 = arith.constant 624 : i32
    %mul3A_24 = arith.muli %arg1, %mul3A_23 : i32
    "tpu.region"() ({
      %run_scoped3A = tpu.sem_alloc : memref<!tpu.dma_semaphore, #tpu.memory_space<semaphore_mem>>
      %dma_start3A = arith.constant 0 : i32
      %dma_start3A_30 = tpu.memref_slice %arg5[%arg0, %mul3A_24, %dma_start3A] : memref<2x10000x128xf32, #tpu.memory_space<hbm>> -> memref<1x624x128xf32, #tpu.memory_space<hbm>>
      %dma_start3A_31 = tpu.memref_squeeze %dma_start3A_30 : memref<1x624x128xf32, #tpu.memory_space<hbm>> -> memref<624x128xf32, #tpu.memory_space<hbm>>
      %dma_start3A_32 = arith.constant 0 : i32
      %dma_start3A_33 = tpu.memref_slice %arg10[%mul3A_22, %dma_start3A_32] : memref<10008x128xf32, #tpu.memory_space<vmem_shared>> -> memref<624x128xf32, #tpu.memory_space<vmem_shared>>
      tpu.enqueue_dma source(%dma_start3A_33 : memref<624x128xf32, #tpu.memory_space<vmem_shared>>) target(%dma_start3A_31 : memref<624x128xf32, #tpu.memory_space<hbm>>) target_semaphore(%run_scoped3A : memref<!tpu.dma_semaphore, #tpu.memory_space<semaphore_mem>>)
      %dma_wait3A = arith.constant 0 : i32
      %dma_wait3A_34 = tpu.memref_slice %arg5[%arg0, %mul3A_24, %dma_wait3A] : memref<2x10000x128xf32, #tpu.memory_space<hbm>> -> memref<1x624x128xf32, #tpu.memory_space<hbm>>
      %dma_wait3A_35 = tpu.memref_squeeze %dma_wait3A_34 : memref<1x624x128xf32, #tpu.memory_space<hbm>> -> memref<624x128xf32, #tpu.memory_space<hbm>>
      %dma_wait3A_36 = arith.constant 0 : i32
      %dma_wait3A_37 = tpu.memref_slice %arg10[%mul3A_22, %dma_wait3A_36] : memref<10008x128xf32, #tpu.memory_space<vmem_shared>> -> memref<624x128xf32, #tpu.memory_space<vmem_shared>>
      tpu.wait_dma2 semaphore(%run_scoped3A : memref<!tpu.dma_semaphore, #tpu.memory_space<semaphore_mem>>) src(%dma_wait3A_37 : memref<624x128xf32, #tpu.memory_space<vmem_shared>>) dst(%dma_wait3A_35 : memref<624x128xf32, #tpu.memory_space<hbm>>)
      tpu.yield
    }) : () -> ()
    %eq3A_25 = arith.constant 15 : i32
    %eq3A_26 = arith.cmpi eq, %arg1, %eq3A_25 : i32
    %convert_element_type3A_27 = arith.extui %eq3A_26 : i1 to i32
    %cond3A_28 = arith.constant 0 : i32
    %cond3A_29 = arith.cmpi ne, %convert_element_type3A_27, %cond3A_28 : i32
    scf.if %cond3A_29 {
      "tpu.region"() ({
        %run_scoped3A = tpu.sem_alloc : memref<!tpu.dma_semaphore, #tpu.memory_space<semaphore_mem>>
        %dma_start3A = arith.constant 9984 : i32
        %dma_start3A_30 = arith.constant 0 : i32
        %dma_start3A_31 = tpu.memref_slice %arg5[%arg0, %dma_start3A, %dma_start3A_30] : memref<2x10000x128xf32, #tpu.memory_space<hbm>> -> memref<1x16x128xf32, #tpu.memory_space<hbm>>
        %dma_start3A_32 = tpu.memref_squeeze %dma_start3A_31 : memref<1x16x128xf32, #tpu.memory_space<hbm>> -> memref<16x128xf32, #tpu.memory_space<hbm>>
        %dma_start3A_33 = arith.constant 9984 : i32
        %dma_start3A_34 = arith.constant 0 : i32
        %dma_start3A_35 = tpu.memref_slice %arg10[%dma_start3A_33, %dma_start3A_34] : memref<10008x128xf32, #tpu.memory_space<vmem_shared>> -> memref<16x128xf32, #tpu.memory_space<vmem_shared>>
        tpu.enqueue_dma source(%dma_start3A_35 : memref<16x128xf32, #tpu.memory_space<vmem_shared>>) target(%dma_start3A_32 : memref<16x128xf32, #tpu.memory_space<hbm>>) target_semaphore(%run_scoped3A : memref<!tpu.dma_semaphore, #tpu.memory_space<semaphore_mem>>)
        %dma_wait3A = arith.constant 9984 : i32
        %dma_wait3A_36 = arith.constant 0 : i32
        %dma_wait3A_37 = tpu.memref_slice %arg5[%arg0, %dma_wait3A, %dma_wait3A_36] : memref<2x10000x128xf32, #tpu.memory_space<hbm>> -> memref<1x16x128xf32, #tpu.memory_space<hbm>>
        %dma_wait3A_38 = tpu.memref_squeeze %dma_wait3A_37 : memref<1x16x128xf32, #tpu.memory_space<hbm>> -> memref<16x128xf32, #tpu.memory_space<hbm>>
        %dma_wait3A_39 = arith.constant 9984 : i32
        %dma_wait3A_40 = arith.constant 0 : i32
        %dma_wait3A_41 = tpu.memref_slice %arg10[%dma_wait3A_39, %dma_wait3A_40] : memref<10008x128xf32, #tpu.memory_space<vmem_shared>> -> memref<16x128xf32, #tpu.memory_space<vmem_shared>>
        tpu.wait_dma2 semaphore(%run_scoped3A : memref<!tpu.dma_semaphore, #tpu.memory_space<semaphore_mem>>) src(%dma_wait3A_41 : memref<16x128xf32, #tpu.memory_space<vmem_shared>>) dst(%dma_wait3A_38 : memref<16x128xf32, #tpu.memory_space<hbm>>)
        tpu.yield
      }) : () -> ()
    } else {
    }
    return
  }
}

#map = affine_map<(d0, d1) -> (0, 0, 0)>
module attributes {stable_mosaic.version = 14 : i64} {
  func.func @deg_kernel(%arg0: i32, %arg1: i32, %arg2: memref<32x79x128xi32, #tpu.memory_space<hbm>>, %arg3: memref<2x10000x128xf32, #tpu.memory_space<hbm>>, %arg4: memref<79x128xi32, #tpu.memory_space<vmem>>, %arg5: memref<128x128xf32, #tpu.memory_space<vmem>>, %arg6: memref<16x128xf32, #tpu.memory_space<vmem>>, %arg7: memref<10008x128xf32, #tpu.memory_space<vmem_shared>>) attributes {dimension_semantics = [#tpu.dimension_semantics<core_parallel>, #tpu.dimension_semantics<subcore_parallel>], iteration_bounds = array<i64: 2, 16>, scalar_prefetch = 0 : i64, scratch_operands = 4 : i64, tpu.core_type = #tpu.core_type<sc_vector_subcore>, window_params = [{transform_indices = #map}, {transform_indices = #map}]} {
    %mul3A = arith.constant 16 : i32
    %mul3A_0 = arith.muli %arg0, %mul3A : i32
    %add3A = arith.addi %mul3A_0, %arg1 : i32
    %scan3A = arith.constant 0 : i32
    %scan3A_1 = arith.constant 16 : i32
    %scan3A_2 = arith.addi %scan3A, %scan3A_1 : i32
    %scan3A_3 = arith.constant 1 : i32
    scf.for %scan3A_32 = %scan3A to %scan3A_2 step %scan3A_3  : i32 {
      %mul3A_33 = arith.constant 1 : i32
      %mul3A_34 = arith.muli %scan3A_32, %mul3A_33 : i32
      %add3A_35 = arith.constant 0 : i32
      %add3A_36 = arith.addi %add3A_35, %mul3A_34 : i32
      %scan3A_37 = arith.constant 0 : i32
      %scan3A_38 = arith.constant 8 : i32
      %scan3A_39 = arith.addi %scan3A_37, %scan3A_38 : i32
      %scan3A_40 = arith.constant 1 : i32
      scf.for %scan3A_42 = %scan3A_37 to %scan3A_39 step %scan3A_40  : i32 {
        %mul3A_43 = arith.constant 1 : i32
        %mul3A_44 = arith.muli %scan3A_42, %mul3A_43 : i32
        %add3A_45 = arith.constant 0 : i32
        %add3A_46 = arith.addi %add3A_45, %mul3A_44 : i32
        %broadcast_in_dim3A = arith.constant 0.000000e+00 : f32
        %broadcast_in_dim3A_47 = vector.broadcast %broadcast_in_dim3A : f32 to vector<16xf32>
        %mul3A_48 = arith.constant 16 : i32
        %mul3A_49 = arith.muli %add3A_46, %mul3A_48 : i32
        %swap3A = arith.index_cast %add3A_36 : i32 to index
        %swap3A_50 = arith.index_cast %mul3A_49 : i32 to index
        %swap3A_51 = tpu.vector_load %arg6[%swap3A, %swap3A_50] {strides = array<i32>} : memref<16x128xf32, #tpu.memory_space<vmem>>, vector<1x16xf32>,
        %swap3A_52 = vector.shape_cast %swap3A_51 : vector<1x16xf32> to vector<16xf32>
        %swap3A_53 = vector.shape_cast %broadcast_in_dim3A_47 : vector<16xf32> to vector<1x16xf32>
        tpu.vector_store %arg6[%swap3A, %swap3A_50], %swap3A_53 {strides = array<i32>} : memref<16x128xf32, #tpu.memory_space<vmem>>, vector<1x16xf32>,
      }
      %scan3A_41 = arith.constant 8 : i32
    }
    %scan3A_4 = arith.constant 16 : i32
    %scan3A_5 = arith.constant 0 : i32
    %scan3A_6 = arith.constant 128 : i32
    %scan3A_7 = arith.addi %scan3A_5, %scan3A_6 : i32
    %scan3A_8 = arith.constant 1 : i32
    scf.for %scan3A_32 = %scan3A_5 to %scan3A_7 step %scan3A_8  : i32 {
      %mul3A_33 = arith.constant 1 : i32
      %mul3A_34 = arith.muli %scan3A_32, %mul3A_33 : i32
      %add3A_35 = arith.constant 0 : i32
      %add3A_36 = arith.addi %add3A_35, %mul3A_34 : i32
      %scan3A_37 = arith.constant 0 : i32
      %scan3A_38 = arith.constant 8 : i32
      %scan3A_39 = arith.addi %scan3A_37, %scan3A_38 : i32
      %scan3A_40 = arith.constant 1 : i32
      scf.for %scan3A_42 = %scan3A_37 to %scan3A_39 step %scan3A_40  : i32 {
        %mul3A_43 = arith.constant 1 : i32
        %mul3A_44 = arith.muli %scan3A_42, %mul3A_43 : i32
        %add3A_45 = arith.constant 0 : i32
        %add3A_46 = arith.addi %add3A_45, %mul3A_44 : i32
        %broadcast_in_dim3A = arith.constant 1.000000e+00 : f32
        %broadcast_in_dim3A_47 = vector.broadcast %broadcast_in_dim3A : f32 to vector<16xf32>
        %mul3A_48 = arith.constant 16 : i32
        %mul3A_49 = arith.muli %add3A_46, %mul3A_48 : i32
        %swap3A = arith.index_cast %add3A_36 : i32 to index
        %swap3A_50 = arith.index_cast %mul3A_49 : i32 to index
        %swap3A_51 = tpu.vector_load %arg5[%swap3A, %swap3A_50] {strides = array<i32>} : memref<128x128xf32, #tpu.memory_space<vmem>>, vector<1x16xf32>,
        %swap3A_52 = vector.shape_cast %swap3A_51 : vector<1x16xf32> to vector<16xf32>
        %swap3A_53 = vector.shape_cast %broadcast_in_dim3A_47 : vector<16xf32> to vector<1x16xf32>
        tpu.vector_store %arg5[%swap3A, %swap3A_50], %swap3A_53 {strides = array<i32>} : memref<128x128xf32, #tpu.memory_space<vmem>>, vector<1x16xf32>,
      }
      %scan3A_41 = arith.constant 8 : i32
    }
    %scan3A_9 = arith.constant 128 : i32
    %scan3A_10 = arith.constant 0 : i32
    %scan3A_11 = arith.constant 39 : i32
    %scan3A_12 = arith.addi %scan3A_10, %scan3A_11 : i32
    %scan3A_13 = arith.constant 1 : i32
    scf.for %scan3A_32 = %scan3A_10 to %scan3A_12 step %scan3A_13  : i32 {
      %mul3A_33 = arith.constant 1 : i32
      %mul3A_34 = arith.muli %scan3A_32, %mul3A_33 : i32
      %add3A_35 = arith.constant 0 : i32
      %add3A_36 = arith.addi %add3A_35, %mul3A_34 : i32
      %mul3A_37 = arith.constant 624 : i32
      %mul3A_38 = arith.muli %arg1, %mul3A_37 : i32
      %mul3A_39 = arith.constant 16 : i32
      %mul3A_40 = arith.muli %add3A_36, %mul3A_39 : i32
      %add3A_41 = arith.addi %mul3A_38, %mul3A_40 : i32
      "tpu.region"() ({
        %run_scoped3A = tpu.sem_alloc : memref<!tpu.dma_semaphore, #tpu.memory_space<semaphore_mem>>
        %dma_start3A = arith.constant 0 : i32
        %dma_start3A_42 = tpu.memref_slice %arg7[%add3A_41, %dma_start3A] : memref<10008x128xf32, #tpu.memory_space<vmem_shared>> -> memref<16x128xf32, #tpu.memory_space<vmem_shared>>
        %dma_start3A_43 = arith.constant 0 : i32
        %dma_start3A_44 = tpu.memref_slice %arg7[%add3A_41, %dma_start3A_43] : memref<10008x128xf32, #tpu.memory_space<vmem_shared>> -> memref<16x128xf32, #tpu.memory_space<vmem_shared>>
        tpu.enqueue_dma source(%arg6 : memref<16x128xf32, #tpu.memory_space<vmem>>) target(%dma_start3A_44 : memref<16x128xf32, #tpu.memory_space<vmem_shared>>) target_semaphore(%run_scoped3A : memref<!tpu.dma_semaphore, #tpu.memory_space<semaphore_mem>>)
        %dma_wait3A = arith.constant 0 : i32
        %dma_wait3A_45 = tpu.memref_slice %arg7[%add3A_41, %dma_wait3A] : memref<10008x128xf32, #tpu.memory_space<vmem_shared>> -> memref<16x128xf32, #tpu.memory_space<vmem_shared>>
        %dma_wait3A_46 = arith.constant 0 : i32
        %dma_wait3A_47 = tpu.memref_slice %arg7[%add3A_41, %dma_wait3A_46] : memref<10008x128xf32, #tpu.memory_space<vmem_shared>> -> memref<16x128xf32, #tpu.memory_space<vmem_shared>>
        tpu.wait_dma2 semaphore(%run_scoped3A : memref<!tpu.dma_semaphore, #tpu.memory_space<semaphore_mem>>) src(%arg6 : memref<16x128xf32, #tpu.memory_space<vmem>>) dst(%dma_wait3A_47 : memref<16x128xf32, #tpu.memory_space<vmem_shared>>)
        tpu.yield
      }) : () -> ()
    }
    %scan3A_14 = arith.constant 39 : i32
    %eq3A = arith.constant 15 : i32
    %eq3A_15 = arith.cmpi eq, %arg1, %eq3A : i32
    %convert_element_type3A = arith.extui %eq3A_15 : i1 to i32
    %cond3A = arith.constant 0 : i32
    %cond3A_16 = arith.cmpi ne, %convert_element_type3A, %cond3A : i32
    scf.if %cond3A_16 {
      "tpu.region"() ({
        %run_scoped3A = tpu.sem_alloc : memref<!tpu.dma_semaphore, #tpu.memory_space<semaphore_mem>>
        %dma_start3A = arith.constant 0 : i32
        %dma_start3A_32 = arith.constant 0 : i32
        %dma_start3A_33 = tpu.memref_slice %arg6[%dma_start3A, %dma_start3A_32] : memref<16x128xf32, #tpu.memory_space<vmem>> -> memref<16x128xf32, #tpu.memory_space<vmem>>
        %dma_start3A_34 = arith.constant 9984 : i32
        %dma_start3A_35 = arith.constant 0 : i32
        %dma_start3A_36 = tpu.memref_slice %arg7[%dma_start3A_34, %dma_start3A_35] : memref<10008x128xf32, #tpu.memory_space<vmem_shared>> -> memref<16x128xf32, #tpu.memory_space<vmem_shared>>
        %dma_start3A_37 = arith.constant 9984 : i32
        %dma_start3A_38 = arith.constant 0 : i32
        %dma_start3A_39 = tpu.memref_slice %arg7[%dma_start3A_37, %dma_start3A_38] : memref<10008x128xf32, #tpu.memory_space<vmem_shared>> -> memref<16x128xf32, #tpu.memory_space<vmem_shared>>
        %dma_start3A_40 = arith.constant 0 : i32
        %dma_start3A_41 = arith.constant 0 : i32
        %dma_start3A_42 = tpu.memref_slice %arg6[%dma_start3A_40, %dma_start3A_41] : memref<16x128xf32, #tpu.memory_space<vmem>> -> memref<16x128xf32, #tpu.memory_space<vmem>>
        tpu.enqueue_dma source(%dma_start3A_42 : memref<16x128xf32, #tpu.memory_space<vmem>>) target(%dma_start3A_39 : memref<16x128xf32, #tpu.memory_space<vmem_shared>>) target_semaphore(%run_scoped3A : memref<!tpu.dma_semaphore, #tpu.memory_space<semaphore_mem>>)
        %dma_wait3A = arith.constant 0 : i32
        %dma_wait3A_43 = arith.constant 0 : i32
        %dma_wait3A_44 = tpu.memref_slice %arg6[%dma_wait3A, %dma_wait3A_43] : memref<16x128xf32, #tpu.memory_space<vmem>> -> memref<16x128xf32, #tpu.memory_space<vmem>>
        %dma_wait3A_45 = arith.constant 9984 : i32
        %dma_wait3A_46 = arith.constant 0 : i32
        %dma_wait3A_47 = tpu.memref_slice %arg7[%dma_wait3A_45, %dma_wait3A_46] : memref<10008x128xf32, #tpu.memory_space<vmem_shared>> -> memref<16x128xf32, #tpu.memory_space<vmem_shared>>
        %dma_wait3A_48 = arith.constant 9984 : i32
        %dma_wait3A_49 = arith.constant 0 : i32
        %dma_wait3A_50 = tpu.memref_slice %arg7[%dma_wait3A_48, %dma_wait3A_49] : memref<10008x128xf32, #tpu.memory_space<vmem_shared>> -> memref<16x128xf32, #tpu.memory_space<vmem_shared>>
        %dma_wait3A_51 = arith.constant 0 : i32
        %dma_wait3A_52 = arith.constant 0 : i32
        %dma_wait3A_53 = tpu.memref_slice %arg6[%dma_wait3A_51, %dma_wait3A_52] : memref<16x128xf32, #tpu.memory_space<vmem>> -> memref<16x128xf32, #tpu.memory_space<vmem>>
        tpu.wait_dma2 semaphore(%run_scoped3A : memref<!tpu.dma_semaphore, #tpu.memory_space<semaphore_mem>>) src(%dma_wait3A_53 : memref<16x128xf32, #tpu.memory_space<vmem>>) dst(%dma_wait3A_50 : memref<16x128xf32, #tpu.memory_space<vmem_shared>>)
        tpu.yield
      }) : () -> ()
    } else {
    }
    %barrier3A = arith.constant 0 : index
    tpu.barrier barrier_id(%barrier3A)
    "tpu.region"() ({
      %run_scoped3A = tpu.sem_alloc : memref<!tpu.dma_semaphore, #tpu.memory_space<semaphore_mem>>
      %dma_start3A = arith.constant 0 : i32
      %dma_start3A_32 = arith.constant 0 : i32
      %dma_start3A_33 = tpu.memref_slice %arg2[%add3A, %dma_start3A, %dma_start3A_32] : memref<32x79x128xi32, #tpu.memory_space<hbm>> -> memref<1x79x128xi32, #tpu.memory_space<hbm>>
      %dma_start3A_34 = tpu.memref_squeeze %dma_start3A_33 : memref<1x79x128xi32, #tpu.memory_space<hbm>> -> memref<79x128xi32, #tpu.memory_space<hbm>>
      %dma_start3A_35 = arith.constant 0 : i32
      %dma_start3A_36 = arith.constant 0 : i32
      %dma_start3A_37 = tpu.memref_slice %arg2[%add3A, %dma_start3A_35, %dma_start3A_36] : memref<32x79x128xi32, #tpu.memory_space<hbm>> -> memref<1x79x128xi32, #tpu.memory_space<hbm>>
      %dma_start3A_38 = tpu.memref_squeeze %dma_start3A_37 : memref<1x79x128xi32, #tpu.memory_space<hbm>> -> memref<79x128xi32, #tpu.memory_space<hbm>>
      tpu.enqueue_dma source(%dma_start3A_38 : memref<79x128xi32, #tpu.memory_space<hbm>>) target(%arg4 : memref<79x128xi32, #tpu.memory_space<vmem>>) target_semaphore(%run_scoped3A : memref<!tpu.dma_semaphore, #tpu.memory_space<semaphore_mem>>)
      %dma_wait3A = arith.constant 0 : i32
      %dma_wait3A_39 = arith.constant 0 : i32
      %dma_wait3A_40 = tpu.memref_slice %arg2[%add3A, %dma_wait3A, %dma_wait3A_39] : memref<32x79x128xi32, #tpu.memory_space<hbm>> -> memref<1x79x128xi32, #tpu.memory_space<hbm>>
      %dma_wait3A_41 = tpu.memref_squeeze %dma_wait3A_40 : memref<1x79x128xi32, #tpu.memory_space<hbm>> -> memref<79x128xi32, #tpu.memory_space<hbm>>
      %dma_wait3A_42 = arith.constant 0 : i32
      %dma_wait3A_43 = arith.constant 0 : i32
      %dma_wait3A_44 = tpu.memref_slice %arg2[%add3A, %dma_wait3A_42, %dma_wait3A_43] : memref<32x79x128xi32, #tpu.memory_space<hbm>> -> memref<1x79x128xi32, #tpu.memory_space<hbm>>
      %dma_wait3A_45 = tpu.memref_squeeze %dma_wait3A_44 : memref<1x79x128xi32, #tpu.memory_space<hbm>> -> memref<79x128xi32, #tpu.memory_space<hbm>>
      tpu.wait_dma2 semaphore(%run_scoped3A : memref<!tpu.dma_semaphore, #tpu.memory_space<semaphore_mem>>) src(%dma_wait3A_45 : memref<79x128xi32, #tpu.memory_space<hbm>>) dst(%arg4 : memref<79x128xi32, #tpu.memory_space<vmem>>)
      tpu.yield
    }) : () -> ()
    %scan3A_17 = arith.constant 0 : i32
    %scan3A_18 = arith.constant 79 : i32
    %scan3A_19 = arith.addi %scan3A_17, %scan3A_18 : i32
    %scan3A_20 = arith.constant 1 : i32
    scf.for %scan3A_32 = %scan3A_17 to %scan3A_19 step %scan3A_20  : i32 {
      %mul3A_33 = arith.constant 1 : i32
      %mul3A_34 = arith.muli %scan3A_32, %mul3A_33 : i32
      %add3A_35 = arith.constant 0 : i32
      %add3A_36 = arith.addi %add3A_35, %mul3A_34 : i32
      "tpu.region"() ({
        %run_scoped3A = tpu.sem_alloc : memref<!tpu.dma_semaphore, #tpu.memory_space<semaphore_mem>>
        %dma_start3A = arith.constant 0 : i32
        %dma_start3A_37 = tpu.memref_slice %arg4[%add3A_36, %dma_start3A] : memref<79x128xi32, #tpu.memory_space<vmem>> -> memref<1x128xi32, #tpu.memory_space<vmem>>
        %dma_start3A_38 = tpu.memref_squeeze %dma_start3A_37 : memref<1x128xi32, #tpu.memory_space<vmem>> -> memref<128xi32, #tpu.memory_space<vmem>>
        %dma_start3A_39 = arith.constant 0 : i32
        %dma_start3A_40 = arith.constant 0 : i32
        %dma_start3A_41 = tpu.memref_slice %arg7[%dma_start3A_39, %dma_start3A_40] : memref<10008x128xf32, #tpu.memory_space<vmem_shared>> -> memref<10008x128xf32, #tpu.memory_space<vmem_shared>>
        tpu.enqueue_indirect_dma source(%arg5 : memref<128x128xf32, #tpu.memory_space<vmem>>) target(%dma_start3A_41 : memref<10008x128xf32, #tpu.memory_space<vmem_shared>>) offsets(%dma_start3A_38 : memref<128xi32, #tpu.memory_space<vmem>>) semaphore(%run_scoped3A : memref<!tpu.dma_semaphore, #tpu.memory_space<semaphore_mem>>) {add = true}
        %dma_wait3A = arith.constant 0 : i32
        %dma_wait3A_42 = tpu.memref_slice %arg4[%add3A_36, %dma_wait3A] : memref<79x128xi32, #tpu.memory_space<vmem>> -> memref<1x128xi32, #tpu.memory_space<vmem>>
        %dma_wait3A_43 = tpu.memref_squeeze %dma_wait3A_42 : memref<1x128xi32, #tpu.memory_space<vmem>> -> memref<128xi32, #tpu.memory_space<vmem>>
        %dma_wait3A_44 = arith.constant 0 : i32
        %dma_wait3A_45 = arith.constant 0 : i32
        %dma_wait3A_46 = tpu.memref_slice %arg7[%dma_wait3A_44, %dma_wait3A_45] : memref<10008x128xf32, #tpu.memory_space<vmem_shared>> -> memref<10008x128xf32, #tpu.memory_space<vmem_shared>>
        tpu.wait_indirect_dma semaphore(%run_scoped3A : memref<!tpu.dma_semaphore, #tpu.memory_space<semaphore_mem>>) src(%arg5 : memref<128x128xf32, #tpu.memory_space<vmem>>) dst(%dma_wait3A_46 : memref<10008x128xf32, #tpu.memory_space<vmem_shared>>)
        tpu.yield
      }) : () -> ()
    }
    %scan3A_21 = arith.constant 79 : i32
    %barrier3A_22 = arith.constant 0 : index
    tpu.barrier barrier_id(%barrier3A_22)
    %mul3A_23 = arith.constant 624 : i32
    %mul3A_24 = arith.muli %arg1, %mul3A_23 : i32
    %mul3A_25 = arith.constant 624 : i32
    %mul3A_26 = arith.muli %arg1, %mul3A_25 : i32
    "tpu.region"() ({
      %run_scoped3A = tpu.sem_alloc : memref<!tpu.dma_semaphore, #tpu.memory_space<semaphore_mem>>
      %dma_start3A = arith.constant 0 : i32
      %dma_start3A_32 = tpu.memref_slice %arg3[%arg0, %mul3A_26, %dma_start3A] : memref<2x10000x128xf32, #tpu.memory_space<hbm>> -> memref<1x624x128xf32, #tpu.memory_space<hbm>>
      %dma_start3A_33 = tpu.memref_squeeze %dma_start3A_32 : memref<1x624x128xf32, #tpu.memory_space<hbm>> -> memref<624x128xf32, #tpu.memory_space<hbm>>
      %dma_start3A_34 = arith.constant 0 : i32
      %dma_start3A_35 = tpu.memref_slice %arg7[%mul3A_24, %dma_start3A_34] : memref<10008x128xf32, #tpu.memory_space<vmem_shared>> -> memref<624x128xf32, #tpu.memory_space<vmem_shared>>
      tpu.enqueue_dma source(%dma_start3A_35 : memref<624x128xf32, #tpu.memory_space<vmem_shared>>) target(%dma_start3A_33 : memref<624x128xf32, #tpu.memory_space<hbm>>) target_semaphore(%run_scoped3A : memref<!tpu.dma_semaphore, #tpu.memory_space<semaphore_mem>>)
      %dma_wait3A = arith.constant 0 : i32
      %dma_wait3A_36 = tpu.memref_slice %arg3[%arg0, %mul3A_26, %dma_wait3A] : memref<2x10000x128xf32, #tpu.memory_space<hbm>> -> memref<1x624x128xf32, #tpu.memory_space<hbm>>
      %dma_wait3A_37 = tpu.memref_squeeze %dma_wait3A_36 : memref<1x624x128xf32, #tpu.memory_space<hbm>> -> memref<624x128xf32, #tpu.memory_space<hbm>>
      %dma_wait3A_38 = arith.constant 0 : i32
      %dma_wait3A_39 = tpu.memref_slice %arg7[%mul3A_24, %dma_wait3A_38] : memref<10008x128xf32, #tpu.memory_space<vmem_shared>> -> memref<624x128xf32, #tpu.memory_space<vmem_shared>>
      tpu.wait_dma2 semaphore(%run_scoped3A : memref<!tpu.dma_semaphore, #tpu.memory_space<semaphore_mem>>) src(%dma_wait3A_39 : memref<624x128xf32, #tpu.memory_space<vmem_shared>>) dst(%dma_wait3A_37 : memref<624x128xf32, #tpu.memory_space<hbm>>)
      tpu.yield
    }) : () -> ()
    %eq3A_27 = arith.constant 15 : i32
    %eq3A_28 = arith.cmpi eq, %arg1, %eq3A_27 : i32
    %convert_element_type3A_29 = arith.extui %eq3A_28 : i1 to i32
    %cond3A_30 = arith.constant 0 : i32
    %cond3A_31 = arith.cmpi ne, %convert_element_type3A_29, %cond3A_30 : i32
    scf.if %cond3A_31 {
      "tpu.region"() ({
        %run_scoped3A = tpu.sem_alloc : memref<!tpu.dma_semaphore, #tpu.memory_space<semaphore_mem>>
        %dma_start3A = arith.constant 9984 : i32
        %dma_start3A_32 = arith.constant 0 : i32
        %dma_start3A_33 = tpu.memref_slice %arg3[%arg0, %dma_start3A, %dma_start3A_32] : memref<2x10000x128xf32, #tpu.memory_space<hbm>> -> memref<1x16x128xf32, #tpu.memory_space<hbm>>
        %dma_start3A_34 = tpu.memref_squeeze %dma_start3A_33 : memref<1x16x128xf32, #tpu.memory_space<hbm>> -> memref<16x128xf32, #tpu.memory_space<hbm>>
        %dma_start3A_35 = arith.constant 9984 : i32
        %dma_start3A_36 = arith.constant 0 : i32
        %dma_start3A_37 = tpu.memref_slice %arg7[%dma_start3A_35, %dma_start3A_36] : memref<10008x128xf32, #tpu.memory_space<vmem_shared>> -> memref<16x128xf32, #tpu.memory_space<vmem_shared>>
        tpu.enqueue_dma source(%dma_start3A_37 : memref<16x128xf32, #tpu.memory_space<vmem_shared>>) target(%dma_start3A_34 : memref<16x128xf32, #tpu.memory_space<hbm>>) target_semaphore(%run_scoped3A : memref<!tpu.dma_semaphore, #tpu.memory_space<semaphore_mem>>)
        %dma_wait3A = arith.constant 9984 : i32
        %dma_wait3A_38 = arith.constant 0 : i32
        %dma_wait3A_39 = tpu.memref_slice %arg3[%arg0, %dma_wait3A, %dma_wait3A_38] : memref<2x10000x128xf32, #tpu.memory_space<hbm>> -> memref<1x16x128xf32, #tpu.memory_space<hbm>>
        %dma_wait3A_40 = tpu.memref_squeeze %dma_wait3A_39 : memref<1x16x128xf32, #tpu.memory_space<hbm>> -> memref<16x128xf32, #tpu.memory_space<hbm>>
        %dma_wait3A_41 = arith.constant 9984 : i32
        %dma_wait3A_42 = arith.constant 0 : i32
        %dma_wait3A_43 = tpu.memref_slice %arg7[%dma_wait3A_41, %dma_wait3A_42] : memref<10008x128xf32, #tpu.memory_space<vmem_shared>> -> memref<16x128xf32, #tpu.memory_space<vmem_shared>>
        tpu.wait_dma2 semaphore(%run_scoped3A : memref<!tpu.dma_semaphore, #tpu.memory_space<semaphore_mem>>) src(%dma_wait3A_43 : memref<16x128xf32, #tpu.memory_space<vmem_shared>>) dst(%dma_wait3A_40 : memref<16x128xf32, #tpu.memory_space<hbm>>)
        tpu.yield
      }) : () -> ()
    } else {
    }
    return
  }
}

#map = affine_map<(d0, d1) -> (0, 0)>
#map1 = affine_map<(d0, d1) -> (0, 0, 0)>
module attributes {stable_mosaic.version = 14 : i64} {
  func.func @agg_kernel(%arg0: i32, %arg1: i32, %arg2: memref<10000x128xf32, #tpu.memory_space<hbm>>, %arg3: memref<32x93x128xi32, #tpu.memory_space<hbm>>, %arg4: memref<32x93x128xi32, #tpu.memory_space<hbm>>, %arg5: memref<2x10000x128xf32, #tpu.memory_space<hbm>>, %arg6: memref<93x128xi32, #tpu.memory_space<vmem>>, %arg7: memref<93x128xi32, #tpu.memory_space<vmem>>, %arg8: memref<128x128xf32, #tpu.memory_space<vmem>>, %arg9: memref<16x128xf32, #tpu.memory_space<vmem>>, %arg10: memref<10008x128xf32, #tpu.memory_space<vmem_shared>>, %arg11: memref<!tpu.dma_semaphore, #tpu.memory_space<semaphore_mem>>) attributes {dimension_semantics = [#tpu.dimension_semantics<core_parallel>, #tpu.dimension_semantics<subcore_parallel>], iteration_bounds = array<i64: 2, 16>, scalar_prefetch = 0 : i64, scratch_operands = 6 : i64, tpu.core_type = #tpu.core_type<sc_vector_subcore>, window_params = [{transform_indices = #map}, {transform_indices = #map1}, {transform_indices = #map1}, {transform_indices = #map1}]} {
    %mul3A = arith.constant 16 : i32
    %mul3A_0 = arith.muli %arg0, %mul3A : i32
    %add3A = arith.addi %mul3A_0, %arg1 : i32
    %scan3A = arith.constant 0 : i32
    %scan3A_1 = arith.constant 16 : i32
    %scan3A_2 = arith.addi %scan3A, %scan3A_1 : i32
    %scan3A_3 = arith.constant 1 : i32
    scf.for %scan3A_30 = %scan3A to %scan3A_2 step %scan3A_3  : i32 {
      %mul3A_31 = arith.constant 1 : i32
      %mul3A_32 = arith.muli %scan3A_30, %mul3A_31 : i32
      %add3A_33 = arith.constant 0 : i32
      %add3A_34 = arith.addi %add3A_33, %mul3A_32 : i32
      %scan3A_35 = arith.constant 0 : i32
      %scan3A_36 = arith.constant 8 : i32
      %scan3A_37 = arith.addi %scan3A_35, %scan3A_36 : i32
      %scan3A_38 = arith.constant 1 : i32
      scf.for %scan3A_40 = %scan3A_35 to %scan3A_37 step %scan3A_38  : i32 {
        %mul3A_41 = arith.constant 1 : i32
        %mul3A_42 = arith.muli %scan3A_40, %mul3A_41 : i32
        %add3A_43 = arith.constant 0 : i32
        %add3A_44 = arith.addi %add3A_43, %mul3A_42 : i32
        %broadcast_in_dim3A = arith.constant 0.000000e+00 : f32
        %broadcast_in_dim3A_45 = vector.broadcast %broadcast_in_dim3A : f32 to vector<16xf32>
        %mul3A_46 = arith.constant 16 : i32
        %mul3A_47 = arith.muli %add3A_44, %mul3A_46 : i32
        %swap3A = arith.index_cast %add3A_34 : i32 to index
        %swap3A_48 = arith.index_cast %mul3A_47 : i32 to index
        %swap3A_49 = tpu.vector_load %arg9[%swap3A, %swap3A_48] {strides = array<i32>} : memref<16x128xf32, #tpu.memory_space<vmem>>, vector<1x16xf32>,
        %swap3A_50 = vector.shape_cast %swap3A_49 : vector<1x16xf32> to vector<16xf32>
        %swap3A_51 = vector.shape_cast %broadcast_in_dim3A_45 : vector<16xf32> to vector<1x16xf32>
        tpu.vector_store %arg9[%swap3A, %swap3A_48], %swap3A_51 {strides = array<i32>} : memref<16x128xf32, #tpu.memory_space<vmem>>, vector<1x16xf32>,
      }
      %scan3A_39 = arith.constant 8 : i32
    }
    %scan3A_4 = arith.constant 16 : i32
    %scan3A_5 = arith.constant 0 : i32
    %scan3A_6 = arith.constant 39 : i32
    %scan3A_7 = arith.addi %scan3A_5, %scan3A_6 : i32
    %scan3A_8 = arith.constant 1 : i32
    scf.for %scan3A_30 = %scan3A_5 to %scan3A_7 step %scan3A_8  : i32 {
      %mul3A_31 = arith.constant 1 : i32
      %mul3A_32 = arith.muli %scan3A_30, %mul3A_31 : i32
      %add3A_33 = arith.constant 0 : i32
      %add3A_34 = arith.addi %add3A_33, %mul3A_32 : i32
      %mul3A_35 = arith.constant 624 : i32
      %mul3A_36 = arith.muli %arg1, %mul3A_35 : i32
      %mul3A_37 = arith.constant 16 : i32
      %mul3A_38 = arith.muli %add3A_34, %mul3A_37 : i32
      %add3A_39 = arith.addi %mul3A_36, %mul3A_38 : i32
      "tpu.region"() ({
        %run_scoped3A = tpu.sem_alloc : memref<!tpu.dma_semaphore, #tpu.memory_space<semaphore_mem>>
        %dma_start3A = arith.constant 0 : i32
        %dma_start3A_40 = tpu.memref_slice %arg10[%add3A_39, %dma_start3A] : memref<10008x128xf32, #tpu.memory_space<vmem_shared>> -> memref<16x128xf32, #tpu.memory_space<vmem_shared>>
        %dma_start3A_41 = arith.constant 0 : i32
        %dma_start3A_42 = tpu.memref_slice %arg10[%add3A_39, %dma_start3A_41] : memref<10008x128xf32, #tpu.memory_space<vmem_shared>> -> memref<16x128xf32, #tpu.memory_space<vmem_shared>>
        tpu.enqueue_dma source(%arg9 : memref<16x128xf32, #tpu.memory_space<vmem>>) target(%dma_start3A_42 : memref<16x128xf32, #tpu.memory_space<vmem_shared>>) target_semaphore(%run_scoped3A : memref<!tpu.dma_semaphore, #tpu.memory_space<semaphore_mem>>)
        %dma_wait3A = arith.constant 0 : i32
        %dma_wait3A_43 = tpu.memref_slice %arg10[%add3A_39, %dma_wait3A] : memref<10008x128xf32, #tpu.memory_space<vmem_shared>> -> memref<16x128xf32, #tpu.memory_space<vmem_shared>>
        %dma_wait3A_44 = arith.constant 0 : i32
        %dma_wait3A_45 = tpu.memref_slice %arg10[%add3A_39, %dma_wait3A_44] : memref<10008x128xf32, #tpu.memory_space<vmem_shared>> -> memref<16x128xf32, #tpu.memory_space<vmem_shared>>
        tpu.wait_dma2 semaphore(%run_scoped3A : memref<!tpu.dma_semaphore, #tpu.memory_space<semaphore_mem>>) src(%arg9 : memref<16x128xf32, #tpu.memory_space<vmem>>) dst(%dma_wait3A_45 : memref<16x128xf32, #tpu.memory_space<vmem_shared>>)
        tpu.yield
      }) : () -> ()
    }
    %scan3A_9 = arith.constant 39 : i32
    %eq3A = arith.constant 15 : i32
    %eq3A_10 = arith.cmpi eq, %arg1, %eq3A : i32
    %convert_element_type3A = arith.extui %eq3A_10 : i1 to i32
    %cond3A = arith.constant 0 : i32
    %cond3A_11 = arith.cmpi ne, %convert_element_type3A, %cond3A : i32
    scf.if %cond3A_11 {
      "tpu.region"() ({
        %run_scoped3A = tpu.sem_alloc : memref<!tpu.dma_semaphore, #tpu.memory_space<semaphore_mem>>
        %dma_start3A = arith.constant 0 : i32
        %dma_start3A_30 = arith.constant 0 : i32
        %dma_start3A_31 = tpu.memref_slice %arg9[%dma_start3A, %dma_start3A_30] : memref<16x128xf32, #tpu.memory_space<vmem>> -> memref<16x128xf32, #tpu.memory_space<vmem>>
        %dma_start3A_32 = arith.constant 9984 : i32
        %dma_start3A_33 = arith.constant 0 : i32
        %dma_start3A_34 = tpu.memref_slice %arg10[%dma_start3A_32, %dma_start3A_33] : memref<10008x128xf32, #tpu.memory_space<vmem_shared>> -> memref<16x128xf32, #tpu.memory_space<vmem_shared>>
        %dma_start3A_35 = arith.constant 9984 : i32
        %dma_start3A_36 = arith.constant 0 : i32
        %dma_start3A_37 = tpu.memref_slice %arg10[%dma_start3A_35, %dma_start3A_36] : memref<10008x128xf32, #tpu.memory_space<vmem_shared>> -> memref<16x128xf32, #tpu.memory_space<vmem_shared>>
        %dma_start3A_38 = arith.constant 0 : i32
        %dma_start3A_39 = arith.constant 0 : i32
        %dma_start3A_40 = tpu.memref_slice %arg9[%dma_start3A_38, %dma_start3A_39] : memref<16x128xf32, #tpu.memory_space<vmem>> -> memref<16x128xf32, #tpu.memory_space<vmem>>
        tpu.enqueue_dma source(%dma_start3A_40 : memref<16x128xf32, #tpu.memory_space<vmem>>) target(%dma_start3A_37 : memref<16x128xf32, #tpu.memory_space<vmem_shared>>) target_semaphore(%run_scoped3A : memref<!tpu.dma_semaphore, #tpu.memory_space<semaphore_mem>>)
        %dma_wait3A = arith.constant 0 : i32
        %dma_wait3A_41 = arith.constant 0 : i32
        %dma_wait3A_42 = tpu.memref_slice %arg9[%dma_wait3A, %dma_wait3A_41] : memref<16x128xf32, #tpu.memory_space<vmem>> -> memref<16x128xf32, #tpu.memory_space<vmem>>
        %dma_wait3A_43 = arith.constant 9984 : i32
        %dma_wait3A_44 = arith.constant 0 : i32
        %dma_wait3A_45 = tpu.memref_slice %arg10[%dma_wait3A_43, %dma_wait3A_44] : memref<10008x128xf32, #tpu.memory_space<vmem_shared>> -> memref<16x128xf32, #tpu.memory_space<vmem_shared>>
        %dma_wait3A_46 = arith.constant 9984 : i32
        %dma_wait3A_47 = arith.constant 0 : i32
        %dma_wait3A_48 = tpu.memref_slice %arg10[%dma_wait3A_46, %dma_wait3A_47] : memref<10008x128xf32, #tpu.memory_space<vmem_shared>> -> memref<16x128xf32, #tpu.memory_space<vmem_shared>>
        %dma_wait3A_49 = arith.constant 0 : i32
        %dma_wait3A_50 = arith.constant 0 : i32
        %dma_wait3A_51 = tpu.memref_slice %arg9[%dma_wait3A_49, %dma_wait3A_50] : memref<16x128xf32, #tpu.memory_space<vmem>> -> memref<16x128xf32, #tpu.memory_space<vmem>>
        tpu.wait_dma2 semaphore(%run_scoped3A : memref<!tpu.dma_semaphore, #tpu.memory_space<semaphore_mem>>) src(%dma_wait3A_51 : memref<16x128xf32, #tpu.memory_space<vmem>>) dst(%dma_wait3A_48 : memref<16x128xf32, #tpu.memory_space<vmem_shared>>)
        tpu.yield
      }) : () -> ()
    } else {
    }
    %barrier3A = arith.constant 0 : index
    tpu.barrier barrier_id(%barrier3A)
    "tpu.region"() ({
      %run_scoped3A = tpu.sem_alloc : memref<!tpu.dma_semaphore, #tpu.memory_space<semaphore_mem>>
      %dma_start3A = arith.constant 0 : i32
      %dma_start3A_30 = arith.constant 0 : i32
      %dma_start3A_31 = tpu.memref_slice %arg3[%add3A, %dma_start3A, %dma_start3A_30] : memref<32x93x128xi32, #tpu.memory_space<hbm>> -> memref<1x93x128xi32, #tpu.memory_space<hbm>>
      %dma_start3A_32 = tpu.memref_squeeze %dma_start3A_31 : memref<1x93x128xi32, #tpu.memory_space<hbm>> -> memref<93x128xi32, #tpu.memory_space<hbm>>
      %dma_start3A_33 = arith.constant 0 : i32
      %dma_start3A_34 = arith.constant 0 : i32
      %dma_start3A_35 = tpu.memref_slice %arg3[%add3A, %dma_start3A_33, %dma_start3A_34] : memref<32x93x128xi32, #tpu.memory_space<hbm>> -> memref<1x93x128xi32, #tpu.memory_space<hbm>>
      %dma_start3A_36 = tpu.memref_squeeze %dma_start3A_35 : memref<1x93x128xi32, #tpu.memory_space<hbm>> -> memref<93x128xi32, #tpu.memory_space<hbm>>
      tpu.enqueue_dma source(%dma_start3A_36 : memref<93x128xi32, #tpu.memory_space<hbm>>) target(%arg6 : memref<93x128xi32, #tpu.memory_space<vmem>>) target_semaphore(%run_scoped3A : memref<!tpu.dma_semaphore, #tpu.memory_space<semaphore_mem>>)
      %dma_wait3A = arith.constant 0 : i32
      %dma_wait3A_37 = arith.constant 0 : i32
      %dma_wait3A_38 = tpu.memref_slice %arg3[%add3A, %dma_wait3A, %dma_wait3A_37] : memref<32x93x128xi32, #tpu.memory_space<hbm>> -> memref<1x93x128xi32, #tpu.memory_space<hbm>>
      %dma_wait3A_39 = tpu.memref_squeeze %dma_wait3A_38 : memref<1x93x128xi32, #tpu.memory_space<hbm>> -> memref<93x128xi32, #tpu.memory_space<hbm>>
      %dma_wait3A_40 = arith.constant 0 : i32
      %dma_wait3A_41 = arith.constant 0 : i32
      %dma_wait3A_42 = tpu.memref_slice %arg3[%add3A, %dma_wait3A_40, %dma_wait3A_41] : memref<32x93x128xi32, #tpu.memory_space<hbm>> -> memref<1x93x128xi32, #tpu.memory_space<hbm>>
      %dma_wait3A_43 = tpu.memref_squeeze %dma_wait3A_42 : memref<1x93x128xi32, #tpu.memory_space<hbm>> -> memref<93x128xi32, #tpu.memory_space<hbm>>
      tpu.wait_dma2 semaphore(%run_scoped3A : memref<!tpu.dma_semaphore, #tpu.memory_space<semaphore_mem>>) src(%dma_wait3A_43 : memref<93x128xi32, #tpu.memory_space<hbm>>) dst(%arg6 : memref<93x128xi32, #tpu.memory_space<vmem>>)
      tpu.yield
    }) : () -> ()
    "tpu.region"() ({
      %run_scoped3A = tpu.sem_alloc : memref<!tpu.dma_semaphore, #tpu.memory_space<semaphore_mem>>
      %dma_start3A = arith.constant 0 : i32
      %dma_start3A_30 = arith.constant 0 : i32
      %dma_start3A_31 = tpu.memref_slice %arg4[%add3A, %dma_start3A, %dma_start3A_30] : memref<32x93x128xi32, #tpu.memory_space<hbm>> -> memref<1x93x128xi32, #tpu.memory_space<hbm>>
      %dma_start3A_32 = tpu.memref_squeeze %dma_start3A_31 : memref<1x93x128xi32, #tpu.memory_space<hbm>> -> memref<93x128xi32, #tpu.memory_space<hbm>>
      %dma_start3A_33 = arith.constant 0 : i32
      %dma_start3A_34 = arith.constant 0 : i32
      %dma_start3A_35 = tpu.memref_slice %arg4[%add3A, %dma_start3A_33, %dma_start3A_34] : memref<32x93x128xi32, #tpu.memory_space<hbm>> -> memref<1x93x128xi32, #tpu.memory_space<hbm>>
      %dma_start3A_36 = tpu.memref_squeeze %dma_start3A_35 : memref<1x93x128xi32, #tpu.memory_space<hbm>> -> memref<93x128xi32, #tpu.memory_space<hbm>>
      tpu.enqueue_dma source(%dma_start3A_36 : memref<93x128xi32, #tpu.memory_space<hbm>>) target(%arg7 : memref<93x128xi32, #tpu.memory_space<vmem>>) target_semaphore(%run_scoped3A : memref<!tpu.dma_semaphore, #tpu.memory_space<semaphore_mem>>)
      %dma_wait3A = arith.constant 0 : i32
      %dma_wait3A_37 = arith.constant 0 : i32
      %dma_wait3A_38 = tpu.memref_slice %arg4[%add3A, %dma_wait3A, %dma_wait3A_37] : memref<32x93x128xi32, #tpu.memory_space<hbm>> -> memref<1x93x128xi32, #tpu.memory_space<hbm>>
      %dma_wait3A_39 = tpu.memref_squeeze %dma_wait3A_38 : memref<1x93x128xi32, #tpu.memory_space<hbm>> -> memref<93x128xi32, #tpu.memory_space<hbm>>
      %dma_wait3A_40 = arith.constant 0 : i32
      %dma_wait3A_41 = arith.constant 0 : i32
      %dma_wait3A_42 = tpu.memref_slice %arg4[%add3A, %dma_wait3A_40, %dma_wait3A_41] : memref<32x93x128xi32, #tpu.memory_space<hbm>> -> memref<1x93x128xi32, #tpu.memory_space<hbm>>
      %dma_wait3A_43 = tpu.memref_squeeze %dma_wait3A_42 : memref<1x93x128xi32, #tpu.memory_space<hbm>> -> memref<93x128xi32, #tpu.memory_space<hbm>>
      tpu.wait_dma2 semaphore(%run_scoped3A : memref<!tpu.dma_semaphore, #tpu.memory_space<semaphore_mem>>) src(%dma_wait3A_43 : memref<93x128xi32, #tpu.memory_space<hbm>>) dst(%arg7 : memref<93x128xi32, #tpu.memory_space<vmem>>)
      tpu.yield
    }) : () -> ()
    %eq3A_12 = arith.constant 0 : i32
    %eq3A_13 = arith.cmpi eq, %arg0, %eq3A_12 : i32
    %jit3A = arith.constant 64 : i32
    %jit3A_14 = arith.constant 93 : i32
    %select_n3A = arith.select %eq3A_13, %jit3A, %jit3A_14 : i32
    %scan3A_15 = arith.constant 0 : i32
    %scan3A_16 = arith.constant 93 : i32
    %scan3A_17 = arith.addi %scan3A_15, %scan3A_16 : i32
    %scan3A_18 = arith.constant 1 : i32
    scf.for %scan3A_30 = %scan3A_15 to %scan3A_17 step %scan3A_18  : i32 {
      %mul3A_31 = arith.constant 1 : i32
      %mul3A_32 = arith.muli %scan3A_30, %mul3A_31 : i32
      %add3A_33 = arith.constant 0 : i32
      %add3A_34 = arith.addi %add3A_33, %mul3A_32 : i32
      %lt3A = arith.cmpi slt, %add3A_34, %select_n3A : i32
      %convert_element_type3A_35 = arith.extui %lt3A : i1 to i32
      %cond3A_36 = arith.constant 0 : i32
      %cond3A_37 = arith.cmpi ne, %convert_element_type3A_35, %cond3A_36 : i32
      scf.if %cond3A_37 {
        %dma_start3A = arith.constant 0 : i32
        %dma_start3A_38 = tpu.memref_slice %arg6[%add3A_34, %dma_start3A] : memref<93x128xi32, #tpu.memory_space<vmem>> -> memref<1x128xi32, #tpu.memory_space<vmem>>
        %dma_start3A_39 = tpu.memref_squeeze %dma_start3A_38 : memref<1x128xi32, #tpu.memory_space<vmem>> -> memref<128xi32, #tpu.memory_space<vmem>>
        %dma_start3A_40 = arith.constant 0 : i32
        %dma_start3A_41 = arith.constant 0 : i32
        %dma_start3A_42 = tpu.memref_slice %arg2[%dma_start3A_40, %dma_start3A_41] : memref<10000x128xf32, #tpu.memory_space<hbm>> -> memref<10000x128xf32, #tpu.memory_space<hbm>>
        tpu.enqueue_indirect_dma source(%dma_start3A_42 : memref<10000x128xf32, #tpu.memory_space<hbm>>) target(%arg8 : memref<128x128xf32, #tpu.memory_space<vmem>>) offsets(%dma_start3A_39 : memref<128xi32, #tpu.memory_space<vmem>>) semaphore(%arg11 : memref<!tpu.dma_semaphore, #tpu.memory_space<semaphore_mem>>)
        %dma_wait3A = arith.constant 0 : i32
        %dma_wait3A_43 = tpu.memref_slice %arg6[%add3A_34, %dma_wait3A] : memref<93x128xi32, #tpu.memory_space<vmem>> -> memref<1x128xi32, #tpu.memory_space<vmem>>
        %dma_wait3A_44 = tpu.memref_squeeze %dma_wait3A_43 : memref<1x128xi32, #tpu.memory_space<vmem>> -> memref<128xi32, #tpu.memory_space<vmem>>
        %dma_wait3A_45 = arith.constant 0 : i32
        %dma_wait3A_46 = arith.constant 0 : i32
        %dma_wait3A_47 = tpu.memref_slice %arg2[%dma_wait3A_45, %dma_wait3A_46] : memref<10000x128xf32, #tpu.memory_space<hbm>> -> memref<10000x128xf32, #tpu.memory_space<hbm>>
        tpu.wait_indirect_dma semaphore(%arg11 : memref<!tpu.dma_semaphore, #tpu.memory_space<semaphore_mem>>) src(%dma_wait3A_47 : memref<10000x128xf32, #tpu.memory_space<hbm>>) dst(%arg8 : memref<128x128xf32, #tpu.memory_space<vmem>>)
        "tpu.region"() ({
          %run_scoped3A = tpu.sem_alloc : memref<!tpu.dma_semaphore, #tpu.memory_space<semaphore_mem>>
          %dma_start3A_48 = arith.constant 0 : i32
          %dma_start3A_49 = tpu.memref_slice %arg7[%add3A_34, %dma_start3A_48] : memref<93x128xi32, #tpu.memory_space<vmem>> -> memref<1x128xi32, #tpu.memory_space<vmem>>
          %dma_start3A_50 = tpu.memref_squeeze %dma_start3A_49 : memref<1x128xi32, #tpu.memory_space<vmem>> -> memref<128xi32, #tpu.memory_space<vmem>>
          %dma_start3A_51 = arith.constant 0 : i32
          %dma_start3A_52 = arith.constant 0 : i32
          %dma_start3A_53 = tpu.memref_slice %arg10[%dma_start3A_51, %dma_start3A_52] : memref<10008x128xf32, #tpu.memory_space<vmem_shared>> -> memref<10008x128xf32, #tpu.memory_space<vmem_shared>>
          tpu.enqueue_indirect_dma source(%arg8 : memref<128x128xf32, #tpu.memory_space<vmem>>) target(%dma_start3A_53 : memref<10008x128xf32, #tpu.memory_space<vmem_shared>>) offsets(%dma_start3A_50 : memref<128xi32, #tpu.memory_space<vmem>>) semaphore(%run_scoped3A : memref<!tpu.dma_semaphore, #tpu.memory_space<semaphore_mem>>) {add = true}
          %dma_wait3A_54 = arith.constant 0 : i32
          %dma_wait3A_55 = tpu.memref_slice %arg7[%add3A_34, %dma_wait3A_54] : memref<93x128xi32, #tpu.memory_space<vmem>> -> memref<1x128xi32, #tpu.memory_space<vmem>>
          %dma_wait3A_56 = tpu.memref_squeeze %dma_wait3A_55 : memref<1x128xi32, #tpu.memory_space<vmem>> -> memref<128xi32, #tpu.memory_space<vmem>>
          %dma_wait3A_57 = arith.constant 0 : i32
          %dma_wait3A_58 = arith.constant 0 : i32
          %dma_wait3A_59 = tpu.memref_slice %arg10[%dma_wait3A_57, %dma_wait3A_58] : memref<10008x128xf32, #tpu.memory_space<vmem_shared>> -> memref<10008x128xf32, #tpu.memory_space<vmem_shared>>
          tpu.wait_indirect_dma semaphore(%run_scoped3A : memref<!tpu.dma_semaphore, #tpu.memory_space<semaphore_mem>>) src(%arg8 : memref<128x128xf32, #tpu.memory_space<vmem>>) dst(%dma_wait3A_59 : memref<10008x128xf32, #tpu.memory_space<vmem_shared>>)
          tpu.yield
        }) : () -> ()
      } else {
      }
    }
    %scan3A_19 = arith.constant 93 : i32
    %barrier3A_20 = arith.constant 0 : index
    tpu.barrier barrier_id(%barrier3A_20)
    %mul3A_21 = arith.constant 624 : i32
    %mul3A_22 = arith.muli %arg1, %mul3A_21 : i32
    %mul3A_23 = arith.constant 624 : i32
    %mul3A_24 = arith.muli %arg1, %mul3A_23 : i32
    "tpu.region"() ({
      %run_scoped3A = tpu.sem_alloc : memref<!tpu.dma_semaphore, #tpu.memory_space<semaphore_mem>>
      %dma_start3A = arith.constant 0 : i32
      %dma_start3A_30 = tpu.memref_slice %arg5[%arg0, %mul3A_24, %dma_start3A] : memref<2x10000x128xf32, #tpu.memory_space<hbm>> -> memref<1x624x128xf32, #tpu.memory_space<hbm>>
      %dma_start3A_31 = tpu.memref_squeeze %dma_start3A_30 : memref<1x624x128xf32, #tpu.memory_space<hbm>> -> memref<624x128xf32, #tpu.memory_space<hbm>>
      %dma_start3A_32 = arith.constant 0 : i32
      %dma_start3A_33 = tpu.memref_slice %arg10[%mul3A_22, %dma_start3A_32] : memref<10008x128xf32, #tpu.memory_space<vmem_shared>> -> memref<624x128xf32, #tpu.memory_space<vmem_shared>>
      tpu.enqueue_dma source(%dma_start3A_33 : memref<624x128xf32, #tpu.memory_space<vmem_shared>>) target(%dma_start3A_31 : memref<624x128xf32, #tpu.memory_space<hbm>>) target_semaphore(%run_scoped3A : memref<!tpu.dma_semaphore, #tpu.memory_space<semaphore_mem>>)
      %dma_wait3A = arith.constant 0 : i32
      %dma_wait3A_34 = tpu.memref_slice %arg5[%arg0, %mul3A_24, %dma_wait3A] : memref<2x10000x128xf32, #tpu.memory_space<hbm>> -> memref<1x624x128xf32, #tpu.memory_space<hbm>>
      %dma_wait3A_35 = tpu.memref_squeeze %dma_wait3A_34 : memref<1x624x128xf32, #tpu.memory_space<hbm>> -> memref<624x128xf32, #tpu.memory_space<hbm>>
      %dma_wait3A_36 = arith.constant 0 : i32
      %dma_wait3A_37 = tpu.memref_slice %arg10[%mul3A_22, %dma_wait3A_36] : memref<10008x128xf32, #tpu.memory_space<vmem_shared>> -> memref<624x128xf32, #tpu.memory_space<vmem_shared>>
      tpu.wait_dma2 semaphore(%run_scoped3A : memref<!tpu.dma_semaphore, #tpu.memory_space<semaphore_mem>>) src(%dma_wait3A_37 : memref<624x128xf32, #tpu.memory_space<vmem_shared>>) dst(%dma_wait3A_35 : memref<624x128xf32, #tpu.memory_space<hbm>>)
      tpu.yield
    }) : () -> ()
    %eq3A_25 = arith.constant 15 : i32
    %eq3A_26 = arith.cmpi eq, %arg1, %eq3A_25 : i32
    %convert_element_type3A_27 = arith.extui %eq3A_26 : i1 to i32
    %cond3A_28 = arith.constant 0 : i32
    %cond3A_29 = arith.cmpi ne, %convert_element_type3A_27, %cond3A_28 : i32
    scf.if %cond3A_29 {
      "tpu.region"() ({
        %run_scoped3A = tpu.sem_alloc : memref<!tpu.dma_semaphore, #tpu.memory_space<semaphore_mem>>
        %dma_start3A = arith.constant 9984 : i32
        %dma_start3A_30 = arith.constant 0 : i32
        %dma_start3A_31 = tpu.memref_slice %arg5[%arg0, %dma_start3A, %dma_start3A_30] : memref<2x10000x128xf32, #tpu.memory_space<hbm>> -> memref<1x16x128xf32, #tpu.memory_space<hbm>>
        %dma_start3A_32 = tpu.memref_squeeze %dma_start3A_31 : memref<1x16x128xf32, #tpu.memory_space<hbm>> -> memref<16x128xf32, #tpu.memory_space<hbm>>
        %dma_start3A_33 = arith.constant 9984 : i32
        %dma_start3A_34 = arith.constant 0 : i32
        %dma_start3A_35 = tpu.memref_slice %arg10[%dma_start3A_33, %dma_start3A_34] : memref<10008x128xf32, #tpu.memory_space<vmem_shared>> -> memref<16x128xf32, #tpu.memory_space<vmem_shared>>
        tpu.enqueue_dma source(%dma_start3A_35 : memref<16x128xf32, #tpu.memory_space<vmem_shared>>) target(%dma_start3A_32 : memref<16x128xf32, #tpu.memory_space<hbm>>) target_semaphore(%run_scoped3A : memref<!tpu.dma_semaphore, #tpu.memory_space<semaphore_mem>>)
        %dma_wait3A = arith.constant 9984 : i32
        %dma_wait3A_36 = arith.constant 0 : i32
        %dma_wait3A_37 = tpu.memref_slice %arg5[%arg0, %dma_wait3A, %dma_wait3A_36] : memref<2x10000x128xf32, #tpu.memory_space<hbm>> -> memref<1x16x128xf32, #tpu.memory_space<hbm>>
        %dma_wait3A_38 = tpu.memref_squeeze %dma_wait3A_37 : memref<1x16x128xf32, #tpu.memory_space<hbm>> -> memref<16x128xf32, #tpu.memory_space<hbm>>
        %dma_wait3A_39 = arith.constant 9984 : i32
        %dma_wait3A_40 = arith.constant 0 : i32
        %dma_wait3A_41 = tpu.memref_slice %arg10[%dma_wait3A_39, %dma_wait3A_40] : memref<10008x128xf32, #tpu.memory_space<vmem_shared>> -> memref<16x128xf32, #tpu.memory_space<vmem_shared>>
        tpu.wait_dma2 semaphore(%run_scoped3A : memref<!tpu.dma_semaphore, #tpu.memory_space<semaphore_mem>>) src(%dma_wait3A_41 : memref<16x128xf32, #tpu.memory_space<vmem_shared>>) dst(%dma_wait3A_38 : memref<16x128xf32, #tpu.memory_space<hbm>>)
        tpu.yield
      }) : () -> ()
    } else {
    }
    return
  }
}

#map = affine_map<(d0, d1) -> (0, 0)>
#map1 = affine_map<(d0, d1) -> (0, 0, 0)>
module attributes {stable_mosaic.version = 14 : i64} {
  func.func @agg_kernel(%arg0: i32, %arg1: i32, %arg2: memref<10000x128xf32, #tpu.memory_space<hbm>>, %arg3: memref<32x93x128xi32, #tpu.memory_space<hbm>>, %arg4: memref<32x93x128xi32, #tpu.memory_space<hbm>>, %arg5: memref<2x10000x128xf32, #tpu.memory_space<hbm>>, %arg6: memref<93x128xi32, #tpu.memory_space<vmem>>, %arg7: memref<93x128xi32, #tpu.memory_space<vmem>>, %arg8: memref<128x128xf32, #tpu.memory_space<vmem>>, %arg9: memref<16x128xf32, #tpu.memory_space<vmem>>, %arg10: memref<10008x128xf32, #tpu.memory_space<vmem_shared>>, %arg11: memref<!tpu.dma_semaphore, #tpu.memory_space<semaphore_mem>>) attributes {dimension_semantics = [#tpu.dimension_semantics<core_parallel>, #tpu.dimension_semantics<subcore_parallel>], iteration_bounds = array<i64: 2, 16>, scalar_prefetch = 0 : i64, scratch_operands = 6 : i64, tpu.core_type = #tpu.core_type<sc_vector_subcore>, window_params = [{transform_indices = #map}, {transform_indices = #map1}, {transform_indices = #map1}, {transform_indices = #map1}]} {
    %mul3A = arith.constant 16 : i32
    %mul3A_0 = arith.muli %arg0, %mul3A : i32
    %add3A = arith.addi %mul3A_0, %arg1 : i32
    %scan3A = arith.constant 0 : i32
    %scan3A_1 = arith.constant 16 : i32
    %scan3A_2 = arith.addi %scan3A, %scan3A_1 : i32
    %scan3A_3 = arith.constant 1 : i32
    scf.for %scan3A_30 = %scan3A to %scan3A_2 step %scan3A_3  : i32 {
      %mul3A_31 = arith.constant 1 : i32
      %mul3A_32 = arith.muli %scan3A_30, %mul3A_31 : i32
      %add3A_33 = arith.constant 0 : i32
      %add3A_34 = arith.addi %add3A_33, %mul3A_32 : i32
      %scan3A_35 = arith.constant 0 : i32
      %scan3A_36 = arith.constant 8 : i32
      %scan3A_37 = arith.addi %scan3A_35, %scan3A_36 : i32
      %scan3A_38 = arith.constant 1 : i32
      scf.for %scan3A_40 = %scan3A_35 to %scan3A_37 step %scan3A_38  : i32 {
        %mul3A_41 = arith.constant 1 : i32
        %mul3A_42 = arith.muli %scan3A_40, %mul3A_41 : i32
        %add3A_43 = arith.constant 0 : i32
        %add3A_44 = arith.addi %add3A_43, %mul3A_42 : i32
        %broadcast_in_dim3A = arith.constant 0.000000e+00 : f32
        %broadcast_in_dim3A_45 = vector.broadcast %broadcast_in_dim3A : f32 to vector<16xf32>
        %mul3A_46 = arith.constant 16 : i32
        %mul3A_47 = arith.muli %add3A_44, %mul3A_46 : i32
        %swap3A = arith.index_cast %add3A_34 : i32 to index
        %swap3A_48 = arith.index_cast %mul3A_47 : i32 to index
        %swap3A_49 = tpu.vector_load %arg9[%swap3A, %swap3A_48] {strides = array<i32>} : memref<16x128xf32, #tpu.memory_space<vmem>>, vector<1x16xf32>,
        %swap3A_50 = vector.shape_cast %swap3A_49 : vector<1x16xf32> to vector<16xf32>
        %swap3A_51 = vector.shape_cast %broadcast_in_dim3A_45 : vector<16xf32> to vector<1x16xf32>
        tpu.vector_store %arg9[%swap3A, %swap3A_48], %swap3A_51 {strides = array<i32>} : memref<16x128xf32, #tpu.memory_space<vmem>>, vector<1x16xf32>,
      }
      %scan3A_39 = arith.constant 8 : i32
    }
    %scan3A_4 = arith.constant 16 : i32
    %scan3A_5 = arith.constant 0 : i32
    %scan3A_6 = arith.constant 39 : i32
    %scan3A_7 = arith.addi %scan3A_5, %scan3A_6 : i32
    %scan3A_8 = arith.constant 1 : i32
    scf.for %scan3A_30 = %scan3A_5 to %scan3A_7 step %scan3A_8  : i32 {
      %mul3A_31 = arith.constant 1 : i32
      %mul3A_32 = arith.muli %scan3A_30, %mul3A_31 : i32
      %add3A_33 = arith.constant 0 : i32
      %add3A_34 = arith.addi %add3A_33, %mul3A_32 : i32
      %mul3A_35 = arith.constant 624 : i32
      %mul3A_36 = arith.muli %arg1, %mul3A_35 : i32
      %mul3A_37 = arith.constant 16 : i32
      %mul3A_38 = arith.muli %add3A_34, %mul3A_37 : i32
      %add3A_39 = arith.addi %mul3A_36, %mul3A_38 : i32
      "tpu.region"() ({
        %run_scoped3A = tpu.sem_alloc : memref<!tpu.dma_semaphore, #tpu.memory_space<semaphore_mem>>
        %dma_start3A = arith.constant 0 : i32
        %dma_start3A_40 = tpu.memref_slice %arg10[%add3A_39, %dma_start3A] : memref<10008x128xf32, #tpu.memory_space<vmem_shared>> -> memref<16x128xf32, #tpu.memory_space<vmem_shared>>
        %dma_start3A_41 = arith.constant 0 : i32
        %dma_start3A_42 = tpu.memref_slice %arg10[%add3A_39, %dma_start3A_41] : memref<10008x128xf32, #tpu.memory_space<vmem_shared>> -> memref<16x128xf32, #tpu.memory_space<vmem_shared>>
        tpu.enqueue_dma source(%arg9 : memref<16x128xf32, #tpu.memory_space<vmem>>) target(%dma_start3A_42 : memref<16x128xf32, #tpu.memory_space<vmem_shared>>) target_semaphore(%run_scoped3A : memref<!tpu.dma_semaphore, #tpu.memory_space<semaphore_mem>>)
        %dma_wait3A = arith.constant 0 : i32
        %dma_wait3A_43 = tpu.memref_slice %arg10[%add3A_39, %dma_wait3A] : memref<10008x128xf32, #tpu.memory_space<vmem_shared>> -> memref<16x128xf32, #tpu.memory_space<vmem_shared>>
        %dma_wait3A_44 = arith.constant 0 : i32
        %dma_wait3A_45 = tpu.memref_slice %arg10[%add3A_39, %dma_wait3A_44] : memref<10008x128xf32, #tpu.memory_space<vmem_shared>> -> memref<16x128xf32, #tpu.memory_space<vmem_shared>>
        tpu.wait_dma2 semaphore(%run_scoped3A : memref<!tpu.dma_semaphore, #tpu.memory_space<semaphore_mem>>) src(%arg9 : memref<16x128xf32, #tpu.memory_space<vmem>>) dst(%dma_wait3A_45 : memref<16x128xf32, #tpu.memory_space<vmem_shared>>)
        tpu.yield
      }) : () -> ()
    }
    %scan3A_9 = arith.constant 39 : i32
    %eq3A = arith.constant 15 : i32
    %eq3A_10 = arith.cmpi eq, %arg1, %eq3A : i32
    %convert_element_type3A = arith.extui %eq3A_10 : i1 to i32
    %cond3A = arith.constant 0 : i32
    %cond3A_11 = arith.cmpi ne, %convert_element_type3A, %cond3A : i32
    scf.if %cond3A_11 {
      "tpu.region"() ({
        %run_scoped3A = tpu.sem_alloc : memref<!tpu.dma_semaphore, #tpu.memory_space<semaphore_mem>>
        %dma_start3A = arith.constant 0 : i32
        %dma_start3A_30 = arith.constant 0 : i32
        %dma_start3A_31 = tpu.memref_slice %arg9[%dma_start3A, %dma_start3A_30] : memref<16x128xf32, #tpu.memory_space<vmem>> -> memref<16x128xf32, #tpu.memory_space<vmem>>
        %dma_start3A_32 = arith.constant 9984 : i32
        %dma_start3A_33 = arith.constant 0 : i32
        %dma_start3A_34 = tpu.memref_slice %arg10[%dma_start3A_32, %dma_start3A_33] : memref<10008x128xf32, #tpu.memory_space<vmem_shared>> -> memref<16x128xf32, #tpu.memory_space<vmem_shared>>
        %dma_start3A_35 = arith.constant 9984 : i32
        %dma_start3A_36 = arith.constant 0 : i32
        %dma_start3A_37 = tpu.memref_slice %arg10[%dma_start3A_35, %dma_start3A_36] : memref<10008x128xf32, #tpu.memory_space<vmem_shared>> -> memref<16x128xf32, #tpu.memory_space<vmem_shared>>
        %dma_start3A_38 = arith.constant 0 : i32
        %dma_start3A_39 = arith.constant 0 : i32
        %dma_start3A_40 = tpu.memref_slice %arg9[%dma_start3A_38, %dma_start3A_39] : memref<16x128xf32, #tpu.memory_space<vmem>> -> memref<16x128xf32, #tpu.memory_space<vmem>>
        tpu.enqueue_dma source(%dma_start3A_40 : memref<16x128xf32, #tpu.memory_space<vmem>>) target(%dma_start3A_37 : memref<16x128xf32, #tpu.memory_space<vmem_shared>>) target_semaphore(%run_scoped3A : memref<!tpu.dma_semaphore, #tpu.memory_space<semaphore_mem>>)
        %dma_wait3A = arith.constant 0 : i32
        %dma_wait3A_41 = arith.constant 0 : i32
        %dma_wait3A_42 = tpu.memref_slice %arg9[%dma_wait3A, %dma_wait3A_41] : memref<16x128xf32, #tpu.memory_space<vmem>> -> memref<16x128xf32, #tpu.memory_space<vmem>>
        %dma_wait3A_43 = arith.constant 9984 : i32
        %dma_wait3A_44 = arith.constant 0 : i32
        %dma_wait3A_45 = tpu.memref_slice %arg10[%dma_wait3A_43, %dma_wait3A_44] : memref<10008x128xf32, #tpu.memory_space<vmem_shared>> -> memref<16x128xf32, #tpu.memory_space<vmem_shared>>
        %dma_wait3A_46 = arith.constant 9984 : i32
        %dma_wait3A_47 = arith.constant 0 : i32
        %dma_wait3A_48 = tpu.memref_slice %arg10[%dma_wait3A_46, %dma_wait3A_47] : memref<10008x128xf32, #tpu.memory_space<vmem_shared>> -> memref<16x128xf32, #tpu.memory_space<vmem_shared>>
        %dma_wait3A_49 = arith.constant 0 : i32
        %dma_wait3A_50 = arith.constant 0 : i32
        %dma_wait3A_51 = tpu.memref_slice %arg9[%dma_wait3A_49, %dma_wait3A_50] : memref<16x128xf32, #tpu.memory_space<vmem>> -> memref<16x128xf32, #tpu.memory_space<vmem>>
        tpu.wait_dma2 semaphore(%run_scoped3A : memref<!tpu.dma_semaphore, #tpu.memory_space<semaphore_mem>>) src(%dma_wait3A_51 : memref<16x128xf32, #tpu.memory_space<vmem>>) dst(%dma_wait3A_48 : memref<16x128xf32, #tpu.memory_space<vmem_shared>>)
        tpu.yield
      }) : () -> ()
    } else {
    }
    %barrier3A = arith.constant 0 : index
    tpu.barrier barrier_id(%barrier3A)
    "tpu.region"() ({
      %run_scoped3A = tpu.sem_alloc : memref<!tpu.dma_semaphore, #tpu.memory_space<semaphore_mem>>
      %dma_start3A = arith.constant 0 : i32
      %dma_start3A_30 = arith.constant 0 : i32
      %dma_start3A_31 = tpu.memref_slice %arg3[%add3A, %dma_start3A, %dma_start3A_30] : memref<32x93x128xi32, #tpu.memory_space<hbm>> -> memref<1x93x128xi32, #tpu.memory_space<hbm>>
      %dma_start3A_32 = tpu.memref_squeeze %dma_start3A_31 : memref<1x93x128xi32, #tpu.memory_space<hbm>> -> memref<93x128xi32, #tpu.memory_space<hbm>>
      %dma_start3A_33 = arith.constant 0 : i32
      %dma_start3A_34 = arith.constant 0 : i32
      %dma_start3A_35 = tpu.memref_slice %arg3[%add3A, %dma_start3A_33, %dma_start3A_34] : memref<32x93x128xi32, #tpu.memory_space<hbm>> -> memref<1x93x128xi32, #tpu.memory_space<hbm>>
      %dma_start3A_36 = tpu.memref_squeeze %dma_start3A_35 : memref<1x93x128xi32, #tpu.memory_space<hbm>> -> memref<93x128xi32, #tpu.memory_space<hbm>>
      tpu.enqueue_dma source(%dma_start3A_36 : memref<93x128xi32, #tpu.memory_space<hbm>>) target(%arg6 : memref<93x128xi32, #tpu.memory_space<vmem>>) target_semaphore(%run_scoped3A : memref<!tpu.dma_semaphore, #tpu.memory_space<semaphore_mem>>)
      %dma_wait3A = arith.constant 0 : i32
      %dma_wait3A_37 = arith.constant 0 : i32
      %dma_wait3A_38 = tpu.memref_slice %arg3[%add3A, %dma_wait3A, %dma_wait3A_37] : memref<32x93x128xi32, #tpu.memory_space<hbm>> -> memref<1x93x128xi32, #tpu.memory_space<hbm>>
      %dma_wait3A_39 = tpu.memref_squeeze %dma_wait3A_38 : memref<1x93x128xi32, #tpu.memory_space<hbm>> -> memref<93x128xi32, #tpu.memory_space<hbm>>
      %dma_wait3A_40 = arith.constant 0 : i32
      %dma_wait3A_41 = arith.constant 0 : i32
      %dma_wait3A_42 = tpu.memref_slice %arg3[%add3A, %dma_wait3A_40, %dma_wait3A_41] : memref<32x93x128xi32, #tpu.memory_space<hbm>> -> memref<1x93x128xi32, #tpu.memory_space<hbm>>
      %dma_wait3A_43 = tpu.memref_squeeze %dma_wait3A_42 : memref<1x93x128xi32, #tpu.memory_space<hbm>> -> memref<93x128xi32, #tpu.memory_space<hbm>>
      tpu.wait_dma2 semaphore(%run_scoped3A : memref<!tpu.dma_semaphore, #tpu.memory_space<semaphore_mem>>) src(%dma_wait3A_43 : memref<93x128xi32, #tpu.memory_space<hbm>>) dst(%arg6 : memref<93x128xi32, #tpu.memory_space<vmem>>)
      tpu.yield
    }) : () -> ()
    "tpu.region"() ({
      %run_scoped3A = tpu.sem_alloc : memref<!tpu.dma_semaphore, #tpu.memory_space<semaphore_mem>>
      %dma_start3A = arith.constant 0 : i32
      %dma_start3A_30 = arith.constant 0 : i32
      %dma_start3A_31 = tpu.memref_slice %arg4[%add3A, %dma_start3A, %dma_start3A_30] : memref<32x93x128xi32, #tpu.memory_space<hbm>> -> memref<1x93x128xi32, #tpu.memory_space<hbm>>
      %dma_start3A_32 = tpu.memref_squeeze %dma_start3A_31 : memref<1x93x128xi32, #tpu.memory_space<hbm>> -> memref<93x128xi32, #tpu.memory_space<hbm>>
      %dma_start3A_33 = arith.constant 0 : i32
      %dma_start3A_34 = arith.constant 0 : i32
      %dma_start3A_35 = tpu.memref_slice %arg4[%add3A, %dma_start3A_33, %dma_start3A_34] : memref<32x93x128xi32, #tpu.memory_space<hbm>> -> memref<1x93x128xi32, #tpu.memory_space<hbm>>
      %dma_start3A_36 = tpu.memref_squeeze %dma_start3A_35 : memref<1x93x128xi32, #tpu.memory_space<hbm>> -> memref<93x128xi32, #tpu.memory_space<hbm>>
      tpu.enqueue_dma source(%dma_start3A_36 : memref<93x128xi32, #tpu.memory_space<hbm>>) target(%arg7 : memref<93x128xi32, #tpu.memory_space<vmem>>) target_semaphore(%run_scoped3A : memref<!tpu.dma_semaphore, #tpu.memory_space<semaphore_mem>>)
      %dma_wait3A = arith.constant 0 : i32
      %dma_wait3A_37 = arith.constant 0 : i32
      %dma_wait3A_38 = tpu.memref_slice %arg4[%add3A, %dma_wait3A, %dma_wait3A_37] : memref<32x93x128xi32, #tpu.memory_space<hbm>> -> memref<1x93x128xi32, #tpu.memory_space<hbm>>
      %dma_wait3A_39 = tpu.memref_squeeze %dma_wait3A_38 : memref<1x93x128xi32, #tpu.memory_space<hbm>> -> memref<93x128xi32, #tpu.memory_space<hbm>>
      %dma_wait3A_40 = arith.constant 0 : i32
      %dma_wait3A_41 = arith.constant 0 : i32
      %dma_wait3A_42 = tpu.memref_slice %arg4[%add3A, %dma_wait3A_40, %dma_wait3A_41] : memref<32x93x128xi32, #tpu.memory_space<hbm>> -> memref<1x93x128xi32, #tpu.memory_space<hbm>>
      %dma_wait3A_43 = tpu.memref_squeeze %dma_wait3A_42 : memref<1x93x128xi32, #tpu.memory_space<hbm>> -> memref<93x128xi32, #tpu.memory_space<hbm>>
      tpu.wait_dma2 semaphore(%run_scoped3A : memref<!tpu.dma_semaphore, #tpu.memory_space<semaphore_mem>>) src(%dma_wait3A_43 : memref<93x128xi32, #tpu.memory_space<hbm>>) dst(%arg7 : memref<93x128xi32, #tpu.memory_space<vmem>>)
      tpu.yield
    }) : () -> ()
    %eq3A_12 = arith.constant 0 : i32
    %eq3A_13 = arith.cmpi eq, %arg0, %eq3A_12 : i32
    %jit3A = arith.constant 64 : i32
    %jit3A_14 = arith.constant 93 : i32
    %select_n3A = arith.select %eq3A_13, %jit3A, %jit3A_14 : i32
    %scan3A_15 = arith.constant 0 : i32
    %scan3A_16 = arith.constant 93 : i32
    %scan3A_17 = arith.addi %scan3A_15, %scan3A_16 : i32
    %scan3A_18 = arith.constant 1 : i32
    scf.for %scan3A_30 = %scan3A_15 to %scan3A_17 step %scan3A_18  : i32 {
      %mul3A_31 = arith.constant 1 : i32
      %mul3A_32 = arith.muli %scan3A_30, %mul3A_31 : i32
      %add3A_33 = arith.constant 0 : i32
      %add3A_34 = arith.addi %add3A_33, %mul3A_32 : i32
      %lt3A = arith.cmpi slt, %add3A_34, %select_n3A : i32
      %convert_element_type3A_35 = arith.extui %lt3A : i1 to i32
      %cond3A_36 = arith.constant 0 : i32
      %cond3A_37 = arith.cmpi ne, %convert_element_type3A_35, %cond3A_36 : i32
      scf.if %cond3A_37 {
        %dma_start3A = arith.constant 0 : i32
        %dma_start3A_38 = tpu.memref_slice %arg6[%add3A_34, %dma_start3A] : memref<93x128xi32, #tpu.memory_space<vmem>> -> memref<1x128xi32, #tpu.memory_space<vmem>>
        %dma_start3A_39 = tpu.memref_squeeze %dma_start3A_38 : memref<1x128xi32, #tpu.memory_space<vmem>> -> memref<128xi32, #tpu.memory_space<vmem>>
        %dma_start3A_40 = arith.constant 0 : i32
        %dma_start3A_41 = arith.constant 0 : i32
        %dma_start3A_42 = tpu.memref_slice %arg2[%dma_start3A_40, %dma_start3A_41] : memref<10000x128xf32, #tpu.memory_space<hbm>> -> memref<10000x128xf32, #tpu.memory_space<hbm>>
        tpu.enqueue_indirect_dma source(%dma_start3A_42 : memref<10000x128xf32, #tpu.memory_space<hbm>>) target(%arg8 : memref<128x128xf32, #tpu.memory_space<vmem>>) offsets(%dma_start3A_39 : memref<128xi32, #tpu.memory_space<vmem>>) semaphore(%arg11 : memref<!tpu.dma_semaphore, #tpu.memory_space<semaphore_mem>>)
        %dma_wait3A = arith.constant 0 : i32
        %dma_wait3A_43 = tpu.memref_slice %arg6[%add3A_34, %dma_wait3A] : memref<93x128xi32, #tpu.memory_space<vmem>> -> memref<1x128xi32, #tpu.memory_space<vmem>>
        %dma_wait3A_44 = tpu.memref_squeeze %dma_wait3A_43 : memref<1x128xi32, #tpu.memory_space<vmem>> -> memref<128xi32, #tpu.memory_space<vmem>>
        %dma_wait3A_45 = arith.constant 0 : i32
        %dma_wait3A_46 = arith.constant 0 : i32
        %dma_wait3A_47 = tpu.memref_slice %arg2[%dma_wait3A_45, %dma_wait3A_46] : memref<10000x128xf32, #tpu.memory_space<hbm>> -> memref<10000x128xf32, #tpu.memory_space<hbm>>
        tpu.wait_indirect_dma semaphore(%arg11 : memref<!tpu.dma_semaphore, #tpu.memory_space<semaphore_mem>>) src(%dma_wait3A_47 : memref<10000x128xf32, #tpu.memory_space<hbm>>) dst(%arg8 : memref<128x128xf32, #tpu.memory_space<vmem>>)
        "tpu.region"() ({
          %run_scoped3A = tpu.sem_alloc : memref<!tpu.dma_semaphore, #tpu.memory_space<semaphore_mem>>
          %dma_start3A_48 = arith.constant 0 : i32
          %dma_start3A_49 = tpu.memref_slice %arg7[%add3A_34, %dma_start3A_48] : memref<93x128xi32, #tpu.memory_space<vmem>> -> memref<1x128xi32, #tpu.memory_space<vmem>>
          %dma_start3A_50 = tpu.memref_squeeze %dma_start3A_49 : memref<1x128xi32, #tpu.memory_space<vmem>> -> memref<128xi32, #tpu.memory_space<vmem>>
          %dma_start3A_51 = arith.constant 0 : i32
          %dma_start3A_52 = arith.constant 0 : i32
          %dma_start3A_53 = tpu.memref_slice %arg10[%dma_start3A_51, %dma_start3A_52] : memref<10008x128xf32, #tpu.memory_space<vmem_shared>> -> memref<10008x128xf32, #tpu.memory_space<vmem_shared>>
          tpu.enqueue_indirect_dma source(%arg8 : memref<128x128xf32, #tpu.memory_space<vmem>>) target(%dma_start3A_53 : memref<10008x128xf32, #tpu.memory_space<vmem_shared>>) offsets(%dma_start3A_50 : memref<128xi32, #tpu.memory_space<vmem>>) semaphore(%run_scoped3A : memref<!tpu.dma_semaphore, #tpu.memory_space<semaphore_mem>>) {add = true}
          %dma_wait3A_54 = arith.constant 0 : i32
          %dma_wait3A_55 = tpu.memref_slice %arg7[%add3A_34, %dma_wait3A_54] : memref<93x128xi32, #tpu.memory_space<vmem>> -> memref<1x128xi32, #tpu.memory_space<vmem>>
          %dma_wait3A_56 = tpu.memref_squeeze %dma_wait3A_55 : memref<1x128xi32, #tpu.memory_space<vmem>> -> memref<128xi32, #tpu.memory_space<vmem>>
          %dma_wait3A_57 = arith.constant 0 : i32
          %dma_wait3A_58 = arith.constant 0 : i32
          %dma_wait3A_59 = tpu.memref_slice %arg10[%dma_wait3A_57, %dma_wait3A_58] : memref<10008x128xf32, #tpu.memory_space<vmem_shared>> -> memref<10008x128xf32, #tpu.memory_space<vmem_shared>>
          tpu.wait_indirect_dma semaphore(%run_scoped3A : memref<!tpu.dma_semaphore, #tpu.memory_space<semaphore_mem>>) src(%arg8 : memref<128x128xf32, #tpu.memory_space<vmem>>) dst(%dma_wait3A_59 : memref<10008x128xf32, #tpu.memory_space<vmem_shared>>)
          tpu.yield
        }) : () -> ()
      } else {
      }
    }
    %scan3A_19 = arith.constant 93 : i32
    %barrier3A_20 = arith.constant 0 : index
    tpu.barrier barrier_id(%barrier3A_20)
    %mul3A_21 = arith.constant 624 : i32
    %mul3A_22 = arith.muli %arg1, %mul3A_21 : i32
    %mul3A_23 = arith.constant 624 : i32
    %mul3A_24 = arith.muli %arg1, %mul3A_23 : i32
    "tpu.region"() ({
      %run_scoped3A = tpu.sem_alloc : memref<!tpu.dma_semaphore, #tpu.memory_space<semaphore_mem>>
      %dma_start3A = arith.constant 0 : i32
      %dma_start3A_30 = tpu.memref_slice %arg5[%arg0, %mul3A_24, %dma_start3A] : memref<2x10000x128xf32, #tpu.memory_space<hbm>> -> memref<1x624x128xf32, #tpu.memory_space<hbm>>
      %dma_start3A_31 = tpu.memref_squeeze %dma_start3A_30 : memref<1x624x128xf32, #tpu.memory_space<hbm>> -> memref<624x128xf32, #tpu.memory_space<hbm>>
      %dma_start3A_32 = arith.constant 0 : i32
      %dma_start3A_33 = tpu.memref_slice %arg10[%mul3A_22, %dma_start3A_32] : memref<10008x128xf32, #tpu.memory_space<vmem_shared>> -> memref<624x128xf32, #tpu.memory_space<vmem_shared>>
      tpu.enqueue_dma source(%dma_start3A_33 : memref<624x128xf32, #tpu.memory_space<vmem_shared>>) target(%dma_start3A_31 : memref<624x128xf32, #tpu.memory_space<hbm>>) target_semaphore(%run_scoped3A : memref<!tpu.dma_semaphore, #tpu.memory_space<semaphore_mem>>)
      %dma_wait3A = arith.constant 0 : i32
      %dma_wait3A_34 = tpu.memref_slice %arg5[%arg0, %mul3A_24, %dma_wait3A] : memref<2x10000x128xf32, #tpu.memory_space<hbm>> -> memref<1x624x128xf32, #tpu.memory_space<hbm>>
      %dma_wait3A_35 = tpu.memref_squeeze %dma_wait3A_34 : memref<1x624x128xf32, #tpu.memory_space<hbm>> -> memref<624x128xf32, #tpu.memory_space<hbm>>
      %dma_wait3A_36 = arith.constant 0 : i32
      %dma_wait3A_37 = tpu.memref_slice %arg10[%mul3A_22, %dma_wait3A_36] : memref<10008x128xf32, #tpu.memory_space<vmem_shared>> -> memref<624x128xf32, #tpu.memory_space<vmem_shared>>
      tpu.wait_dma2 semaphore(%run_scoped3A : memref<!tpu.dma_semaphore, #tpu.memory_space<semaphore_mem>>) src(%dma_wait3A_37 : memref<624x128xf32, #tpu.memory_space<vmem_shared>>) dst(%dma_wait3A_35 : memref<624x128xf32, #tpu.memory_space<hbm>>)
      tpu.yield
    }) : () -> ()
    %eq3A_25 = arith.constant 15 : i32
    %eq3A_26 = arith.cmpi eq, %arg1, %eq3A_25 : i32
    %convert_element_type3A_27 = arith.extui %eq3A_26 : i1 to i32
    %cond3A_28 = arith.constant 0 : i32
    %cond3A_29 = arith.cmpi ne, %convert_element_type3A_27, %cond3A_28 : i32
    scf.if %cond3A_29 {
      "tpu.region"() ({
        %run_scoped3A = tpu.sem_alloc : memref<!tpu.dma_semaphore, #tpu.memory_space<semaphore_mem>>
        %dma_start3A = arith.constant 9984 : i32
        %dma_start3A_30 = arith.constant 0 : i32
        %dma_start3A_31 = tpu.memref_slice %arg5[%arg0, %dma_start3A, %dma_start3A_30] : memref<2x10000x128xf32, #tpu.memory_space<hbm>> -> memref<1x16x128xf32, #tpu.memory_space<hbm>>
        %dma_start3A_32 = tpu.memref_squeeze %dma_start3A_31 : memref<1x16x128xf32, #tpu.memory_space<hbm>> -> memref<16x128xf32, #tpu.memory_space<hbm>>
        %dma_start3A_33 = arith.constant 9984 : i32
        %dma_start3A_34 = arith.constant 0 : i32
        %dma_start3A_35 = tpu.memref_slice %arg10[%dma_start3A_33, %dma_start3A_34] : memref<10008x128xf32, #tpu.memory_space<vmem_shared>> -> memref<16x128xf32, #tpu.memory_space<vmem_shared>>
        tpu.enqueue_dma source(%dma_start3A_35 : memref<16x128xf32, #tpu.memory_space<vmem_shared>>) target(%dma_start3A_32 : memref<16x128xf32, #tpu.memory_space<hbm>>) target_semaphore(%run_scoped3A : memref<!tpu.dma_semaphore, #tpu.memory_space<semaphore_mem>>)
        %dma_wait3A = arith.constant 9984 : i32
        %dma_wait3A_36 = arith.constant 0 : i32
        %dma_wait3A_37 = tpu.memref_slice %arg5[%arg0, %dma_wait3A, %dma_wait3A_36] : memref<2x10000x128xf32, #tpu.memory_space<hbm>> -> memref<1x16x128xf32, #tpu.memory_space<hbm>>
        %dma_wait3A_38 = tpu.memref_squeeze %dma_wait3A_37 : memref<1x16x128xf32, #tpu.memory_space<hbm>> -> memref<16x128xf32, #tpu.memory_space<hbm>>
        %dma_wait3A_39 = arith.constant 9984 : i32
        %dma_wait3A_40 = arith.constant 0 : i32
        %dma_wait3A_41 = tpu.memref_slice %arg10[%dma_wait3A_39, %dma_wait3A_40] : memref<10008x128xf32, #tpu.memory_space<vmem_shared>> -> memref<16x128xf32, #tpu.memory_space<vmem_shared>>
        tpu.wait_dma2 semaphore(%run_scoped3A : memref<!tpu.dma_semaphore, #tpu.memory_space<semaphore_mem>>) src(%dma_wait3A_41 : memref<16x128xf32, #tpu.memory_space<vmem_shared>>) dst(%dma_wait3A_38 : memref<16x128xf32, #tpu.memory_space<hbm>>)
        tpu.yield
      }) : () -> ()
    } else {
    }
    return
  }
}

module attributes {stable_mosaic.version = 14 : i64} {
  func.func @body(%arg0: i32, %arg1: memref<1000x128xf32, #tpu.memory_space<vmem>>, %arg2: memref<128x128xf32, #tpu.memory_space<vmem>>, %arg3: memref<1000x128xf32, #tpu.memory_space<vmem>>) attributes {dimension_semantics = [#tpu.dimension_semantics<arbitrary>], iteration_bounds = array<i64: 10>, scalar_prefetch = 0 : i64, scratch_operands = 0 : i64, tpu.core_type = #tpu.core_type<tc>, window_params = [{transform_indices = @transform_0, window_bounds = array<i64: 1000, 128>}, {pipeline_mode = #tpu.pipeline_mode<synchronous>, transform_indices = @transform_1, window_bounds = array<i64: 128, 128>}, {transform_indices = @transform_2, window_bounds = array<i64: 1000, 128>}]} {
    %get3A = arith.constant 0 : index
    %get3A_0 = arith.constant 0 : index
    %get3A_1 = vector.load %arg1[%get3A, %get3A_0] : memref<1000x128xf32, #tpu.memory_space<vmem>>, vector<1000x128xf32>
    %get3A_2 = arith.constant 0 : index
    %get3A_3 = arith.constant 0 : index
    %get3A_4 = vector.load %arg2[%get3A_2, %get3A_3] : memref<128x128xf32, #tpu.memory_space<vmem>>, vector<128x128xf32>
    %dot_general3A = arith.constant dense<0.000000e+00> : vector<1000x128xf32>
    %dot_general3A_5 = tpu.matmul %get3A_1, %get3A_4, %dot_general3A {dimension_numbers = #tpu.dot_dimension_numbers<[1], [0], [0], [1], [0, 0, 1, 1], [], []>, transpose_lhs_hint = false} : vector<1000x128xf32>, vector<128x128xf32>, vector<1000x128xf32> -> vector<1000x128xf32>
    %swap3A = arith.constant 0 : index
    %swap3A_6 = arith.constant 0 : index
    %swap3A_7 = vector.load %arg3[%swap3A, %swap3A_6] : memref<1000x128xf32, #tpu.memory_space<vmem>>, vector<1000x128xf32>
    tpu.vector_store %arg3[%swap3A, %swap3A_6], %dot_general3A_5 {strides = array<i32>} : memref<1000x128xf32, #tpu.memory_space<vmem>>, vector<1000x128xf32>,
    return
  }
  func.func @transform_0(%arg0: i32) -> (i32, i32) {
    %c0_i32 = arith.constant 0 : i32
    %c0_i32_0 = arith.constant 0 : i32
    return %arg0, %c0_i32 : i32, i32
  }
  func.func @transform_1(%arg0: i32) -> (i32, i32) {
    %c0_i32 = arith.constant 0 : i32
    %c0_i32_0 = arith.constant 0 : i32
    %c0_i32_1 = arith.constant 0 : i32
    return %c0_i32, %c0_i32_0 : i32, i32
  }
  func.func @transform_2(%arg0: i32) -> (i32, i32) {
    %c0_i32 = arith.constant 0 : i32
    %c0_i32_0 = arith.constant 0 : i32
    return %arg0, %c0_i32 : i32, i32
  }
}

module attributes {stable_mosaic.version = 14 : i64} {
  func.func @body(%arg0: i32, %arg1: memref<2x1000x128xf32, #tpu.memory_space<vmem>>, %arg2: memref<1000x128xf32, #tpu.memory_space<vmem>>, %arg3: memref<1000x1xf32, #tpu.memory_space<vmem>>, %arg4: memref<1000x128xf32, #tpu.memory_space<vmem>>) attributes {dimension_semantics = [#tpu.dimension_semantics<arbitrary>], iteration_bounds = array<i64: 10>, scalar_prefetch = 0 : i64, scratch_operands = 0 : i64, tpu.core_type = #tpu.core_type<tc>, window_params = [{transform_indices = @transform_0, window_bounds = array<i64: 2, 1000, 128>}, {transform_indices = @transform_1, window_bounds = array<i64: 1000, 128>}, {transform_indices = @transform_2, window_bounds = array<i64: 1000, 1>}, {transform_indices = @transform_3, window_bounds = array<i64: 1000, 128>}]} {
    %get3A = arith.constant 0 : index
    %get3A_0 = arith.constant 0 : index
    %get3A_1 = arith.constant 0 : index
    %get3A_2 = vector.load %arg1[%get3A, %get3A_0, %get3A_1] : memref<2x1000x128xf32, #tpu.memory_space<vmem>>, vector<1x1000x1xf32>
    %get3A_3 = vector.shape_cast %get3A_2 : vector<1x1000x1xf32> to vector<1000x1xf32>
    %get3A_4 = arith.constant 1 : index
    %get3A_5 = arith.constant 0 : index
    %get3A_6 = arith.constant 0 : index
    %get3A_7 = vector.load %arg1[%get3A_4, %get3A_5, %get3A_6] : memref<2x1000x128xf32, #tpu.memory_space<vmem>>, vector<1x1000x1xf32>
    %get3A_8 = vector.shape_cast %get3A_7 : vector<1x1000x1xf32> to vector<1000x1xf32>
    %add3A = arith.addf %get3A_3, %get3A_8 : vector<1000x1xf32>
    %add3A_9 = arith.constant 1.000000e+00 : f32
    %add3A_10 = vector.broadcast %add3A_9 : f32 to vector<1000x1xf32>
    %add3A_11 = arith.addf %add3A, %add3A_10 : vector<1000x1xf32>
    %rsqrt3A = math.rsqrt %add3A_11 : vector<1000x1xf32>
    %swap3A = arith.constant 0 : index
    %swap3A_12 = arith.constant 0 : index
    %swap3A_13 = vector.load %arg3[%swap3A, %swap3A_12] : memref<1000x1xf32, #tpu.memory_space<vmem>>, vector<1000x1xf32>
    tpu.vector_store %arg3[%swap3A, %swap3A_12], %rsqrt3A {strides = array<i32>} : memref<1000x1xf32, #tpu.memory_space<vmem>>, vector<1000x1xf32>,
    %get3A_14 = arith.constant 0 : index
    %get3A_15 = arith.constant 0 : index
    %get3A_16 = vector.load %arg2[%get3A_14, %get3A_15] : memref<1000x128xf32, #tpu.memory_space<vmem>>, vector<1000x128xf32>
    %mul3A = vector.broadcast %rsqrt3A : vector<1000x1xf32> to vector<1000x128xf32>
    %mul3A_17 = arith.mulf %get3A_16, %mul3A : vector<1000x128xf32>
    %swap3A_18 = arith.constant 0 : index
    %swap3A_19 = arith.constant 0 : index
    %swap3A_20 = vector.load %arg4[%swap3A_18, %swap3A_19] : memref<1000x128xf32, #tpu.memory_space<vmem>>, vector<1000x128xf32>
    tpu.vector_store %arg4[%swap3A_18, %swap3A_19], %mul3A_17 {strides = array<i32>} : memref<1000x128xf32, #tpu.memory_space<vmem>>, vector<1000x128xf32>,
    return
  }
  func.func @transform_0(%arg0: i32) -> (i32, i32, i32) {
    %c0_i32 = arith.constant 0 : i32
    %c0_i32_0 = arith.constant 0 : i32
    %c0_i32_1 = arith.constant 0 : i32
    return %c0_i32, %arg0, %c0_i32_0 : i32, i32, i32
  }
  func.func @transform_1(%arg0: i32) -> (i32, i32) {
    %c0_i32 = arith.constant 0 : i32
    %c0_i32_0 = arith.constant 0 : i32
    return %arg0, %c0_i32 : i32, i32
  }
  func.func @transform_2(%arg0: i32) -> (i32, i32) {
    %c0_i32 = arith.constant 0 : i32
    %c0_i32_0 = arith.constant 0 : i32
    return %arg0, %c0_i32 : i32, i32
  }
  func.func @transform_3(%arg0: i32) -> (i32, i32) {
    %c0_i32 = arith.constant 0 : i32
    %c0_i32_0 = arith.constant 0 : i32
    return %arg0, %c0_i32 : i32, i32
  }
}

module attributes {stable_mosaic.version = 14 : i64} {
  func.func @body(%arg0: i32, %arg1: memref<2x1000x128xf32, #tpu.memory_space<vmem>>, %arg2: memref<1000x128xf32, #tpu.memory_space<vmem>>, %arg3: memref<1000x1xf32, #tpu.memory_space<vmem>>, %arg4: memref<1x128xf32, #tpu.memory_space<vmem>>, %arg5: memref<128x128xf32, #tpu.memory_space<vmem>>, %arg6: memref<1000x128xf32, #tpu.memory_space<vmem>>, %arg7: memref<1000x128xf32, #tpu.memory_space<vmem>>) attributes {dimension_semantics = [#tpu.dimension_semantics<arbitrary>], iteration_bounds = array<i64: 10>, scalar_prefetch = 0 : i64, scratch_operands = 0 : i64, tpu.core_type = #tpu.core_type<tc>, window_params = [{transform_indices = @transform_0, window_bounds = array<i64: 2, 1000, 128>}, {transform_indices = @transform_1, window_bounds = array<i64: 1000, 128>}, {transform_indices = @transform_2, window_bounds = array<i64: 1000, 1>}, {pipeline_mode = #tpu.pipeline_mode<synchronous>, transform_indices = @transform_3, window_bounds = array<i64: 1, 128>}, {pipeline_mode = #tpu.pipeline_mode<synchronous>, transform_indices = @transform_4, window_bounds = array<i64: 128, 128>}, {transform_indices = @transform_5, window_bounds = array<i64: 1000, 128>}, {transform_indices = @transform_6, window_bounds = array<i64: 1000, 128>}]} {
    %get3A = arith.constant 0 : index
    %get3A_0 = arith.constant 0 : index
    %get3A_1 = vector.load %arg3[%get3A, %get3A_0] : memref<1000x1xf32, #tpu.memory_space<vmem>>, vector<1000x1xf32>
    %get3A_2 = arith.constant 0 : index
    %get3A_3 = arith.constant 0 : index
    %get3A_4 = arith.constant 0 : index
    %get3A_5 = vector.load %arg1[%get3A_2, %get3A_3, %get3A_4] : memref<2x1000x128xf32, #tpu.memory_space<vmem>>, vector<1x1000x128xf32>
    %get3A_6 = vector.shape_cast %get3A_5 : vector<1x1000x128xf32> to vector<1000x128xf32>
    %get3A_7 = arith.constant 1 : index
    %get3A_8 = arith.constant 0 : index
    %get3A_9 = arith.constant 0 : index
    %get3A_10 = vector.load %arg1[%get3A_7, %get3A_8, %get3A_9] : memref<2x1000x128xf32, #tpu.memory_space<vmem>>, vector<1x1000x128xf32>
    %get3A_11 = vector.shape_cast %get3A_10 : vector<1x1000x128xf32> to vector<1000x128xf32>
    %add3A = arith.addf %get3A_6, %get3A_11 : vector<1000x128xf32>
    %mul3A = vector.broadcast %get3A_1 : vector<1000x1xf32> to vector<1000x128xf32>
    %mul3A_12 = arith.mulf %mul3A, %add3A : vector<1000x128xf32>
    %mul3A_13 = arith.mulf %get3A_1, %get3A_1 : vector<1000x1xf32>
    %get3A_14 = arith.constant 0 : index
    %get3A_15 = arith.constant 0 : index
    %get3A_16 = vector.load %arg2[%get3A_14, %get3A_15] : memref<1000x128xf32, #tpu.memory_space<vmem>>, vector<1000x128xf32>
    %mul3A_17 = vector.broadcast %mul3A_13 : vector<1000x1xf32> to vector<1000x128xf32>
    %mul3A_18 = arith.mulf %mul3A_17, %get3A_16 : vector<1000x128xf32>
    %add3A_19 = arith.addf %mul3A_12, %mul3A_18 : vector<1000x128xf32>
    %get3A_20 = arith.constant 0 : index
    %get3A_21 = arith.constant 0 : index
    %get3A_22 = vector.load %arg4[%get3A_20, %get3A_21] : memref<1x128xf32, #tpu.memory_space<vmem>>, vector<1x128xf32>
    %add3A_23 = vector.broadcast %get3A_22 : vector<1x128xf32> to vector<1000x128xf32>
    %add3A_24 = arith.addf %add3A_19, %add3A_23 : vector<1000x128xf32>
    %max3A = arith.constant 0.000000e+00 : f32
    %max3A_25 = vector.broadcast %max3A : f32 to vector<1000x128xf32>
    %max3A_26 = arith.maximumf %add3A_24, %max3A_25 : vector<1000x128xf32>
    %get3A_27 = arith.constant 0 : index
    %get3A_28 = arith.constant 0 : index
    %get3A_29 = vector.load %arg5[%get3A_27, %get3A_28] : memref<128x128xf32, #tpu.memory_space<vmem>>, vector<128x128xf32>
    %dot_general3A = arith.constant dense<0.000000e+00> : vector<1000x128xf32>
    %dot_general3A_30 = tpu.matmul %max3A_26, %get3A_29, %dot_general3A {dimension_numbers = #tpu.dot_dimension_numbers<[1], [0], [0], [1], [0, 0, 1, 1], [], []>, transpose_lhs_hint = false} : vector<1000x128xf32>, vector<128x128xf32>, vector<1000x128xf32> -> vector<1000x128xf32>
    %swap3A = arith.constant 0 : index
    %swap3A_31 = arith.constant 0 : index
    %swap3A_32 = vector.load %arg6[%swap3A, %swap3A_31] : memref<1000x128xf32, #tpu.memory_space<vmem>>, vector<1000x128xf32>
    tpu.vector_store %arg6[%swap3A, %swap3A_31], %dot_general3A_30 {strides = array<i32>} : memref<1000x128xf32, #tpu.memory_space<vmem>>, vector<1000x128xf32>,
    %mul3A_33 = vector.broadcast %get3A_1 : vector<1000x1xf32> to vector<1000x128xf32>
    %mul3A_34 = arith.mulf %dot_general3A_30, %mul3A_33 : vector<1000x128xf32>
    %swap3A_35 = arith.constant 0 : index
    %swap3A_36 = arith.constant 0 : index
    %swap3A_37 = vector.load %arg7[%swap3A_35, %swap3A_36] : memref<1000x128xf32, #tpu.memory_space<vmem>>, vector<1000x128xf32>
    tpu.vector_store %arg7[%swap3A_35, %swap3A_36], %mul3A_34 {strides = array<i32>} : memref<1000x128xf32, #tpu.memory_space<vmem>>, vector<1000x128xf32>,
    return
  }
  func.func @transform_0(%arg0: i32) -> (i32, i32, i32) {
    %c0_i32 = arith.constant 0 : i32
    %c0_i32_0 = arith.constant 0 : i32
    %c0_i32_1 = arith.constant 0 : i32
    return %c0_i32, %arg0, %c0_i32_0 : i32, i32, i32
  }
  func.func @transform_1(%arg0: i32) -> (i32, i32) {
    %c0_i32 = arith.constant 0 : i32
    %c0_i32_0 = arith.constant 0 : i32
    return %arg0, %c0_i32 : i32, i32
  }
  func.func @transform_2(%arg0: i32) -> (i32, i32) {
    %c0_i32 = arith.constant 0 : i32
    %c0_i32_0 = arith.constant 0 : i32
    return %arg0, %c0_i32 : i32, i32
  }
  func.func @transform_3(%arg0: i32) -> (i32, i32) {
    %c0_i32 = arith.constant 0 : i32
    %c0_i32_0 = arith.constant 0 : i32
    %c0_i32_1 = arith.constant 0 : i32
    return %c0_i32, %c0_i32_0 : i32, i32
  }
  func.func @transform_4(%arg0: i32) -> (i32, i32) {
    %c0_i32 = arith.constant 0 : i32
    %c0_i32_0 = arith.constant 0 : i32
    %c0_i32_1 = arith.constant 0 : i32
    return %c0_i32, %c0_i32_0 : i32, i32
  }
  func.func @transform_5(%arg0: i32) -> (i32, i32) {
    %c0_i32 = arith.constant 0 : i32
    %c0_i32_0 = arith.constant 0 : i32
    return %arg0, %c0_i32 : i32, i32
  }
  func.func @transform_6(%arg0: i32) -> (i32, i32) {
    %c0_i32 = arith.constant 0 : i32
    %c0_i32_0 = arith.constant 0 : i32
    return %arg0, %c0_i32 : i32, i32
  }
}

module attributes {stable_mosaic.version = 14 : i64} {
  func.func @body(%arg0: i32, %arg1: memref<2x1000x128xf32, #tpu.memory_space<vmem>>, %arg2: memref<1000x128xf32, #tpu.memory_space<vmem>>, %arg3: memref<1000x1xf32, #tpu.memory_space<vmem>>, %arg4: memref<1x128xf32, #tpu.memory_space<vmem>>, %arg5: memref<1x1x1000xi32, #tpu.memory_space<vmem>>, %arg6: memref<128x512xf32, #tpu.memory_space<vmem>>, %arg7: memref<1x512xf32, #tpu.memory_space<vmem>>, %arg8: memref<64x512xf32, #tpu.memory_space<vmem>>, %arg9: memref<64x128xf32, #tpu.memory_space<vmem>>, %arg10: memref<64x1xf32, #tpu.memory_space<vmem>>) attributes {dimension_semantics = [#tpu.dimension_semantics<arbitrary>], iteration_bounds = array<i64: 10>, scalar_prefetch = 0 : i64, scratch_operands = 2 : i64, tpu.core_type = #tpu.core_type<tc>, window_params = [{transform_indices = @transform_0, window_bounds = array<i64: 2, 1000, 128>}, {transform_indices = @transform_1, window_bounds = array<i64: 1000, 128>}, {transform_indices = @transform_2, window_bounds = array<i64: 1000, 1>}, {pipeline_mode = #tpu.pipeline_mode<synchronous>, transform_indices = @transform_3, window_bounds = array<i64: 1, 128>}, {transform_indices = @transform_4, window_bounds = array<i64: 1, 1, 1000>}, {pipeline_mode = #tpu.pipeline_mode<synchronous>, transform_indices = @transform_5, window_bounds = array<i64: 128, 512>}, {pipeline_mode = #tpu.pipeline_mode<synchronous>, transform_indices = @transform_6, window_bounds = array<i64: 1, 512>}, {pipeline_mode = #tpu.pipeline_mode<synchronous>, transform_indices = @transform_7, window_bounds = array<i64: 64, 512>}]} {
    %eq3A = arith.constant 0 : i32
    %eq3A_0 = arith.cmpi eq, %arg0, %eq3A : i32
    %convert_element_type3A = arith.extui %eq3A_0 : i1 to i32
    %cond3A = arith.constant 0 : i32
    %cond3A_1 = arith.cmpi ne, %convert_element_type3A, %cond3A : i32
    scf.if %cond3A_1 {
      %broadcast_in_dim3A_58 = arith.constant 0.000000e+00 : f32
      %broadcast_in_dim3A_59 = vector.broadcast %broadcast_in_dim3A_58 : f32 to vector<64x128xf32>
      %swap3A_60 = arith.constant 0 : index
      %swap3A_61 = arith.constant 0 : index
      %swap3A_62 = vector.load %arg9[%swap3A_60, %swap3A_61] : memref<64x128xf32, #tpu.memory_space<vmem>>, vector<64x128xf32>
      tpu.vector_store %arg9[%swap3A_60, %swap3A_61], %broadcast_in_dim3A_59 {strides = array<i32>} : memref<64x128xf32, #tpu.memory_space<vmem>>, vector<64x128xf32>,
      %broadcast_in_dim3A_63 = arith.constant 0.000000e+00 : f32
      %broadcast_in_dim3A_64 = vector.broadcast %broadcast_in_dim3A_63 : f32 to vector<64x1xf32>
      %swap3A_65 = arith.constant 0 : index
      %swap3A_66 = arith.constant 0 : index
      %swap3A_67 = vector.load %arg10[%swap3A_65, %swap3A_66] : memref<64x1xf32, #tpu.memory_space<vmem>>, vector<64x1xf32>
      tpu.vector_store %arg10[%swap3A_65, %swap3A_66], %broadcast_in_dim3A_64 {strides = array<i32>} : memref<64x1xf32, #tpu.memory_space<vmem>>, vector<64x1xf32>,
    } else {
    }
    %get3A = arith.constant 0 : index
    %get3A_2 = arith.constant 0 : index
    %get3A_3 = vector.load %arg3[%get3A, %get3A_2] : memref<1000x1xf32, #tpu.memory_space<vmem>>, vector<1000x1xf32>
    %get3A_4 = arith.constant 0 : index
    %get3A_5 = arith.constant 0 : index
    %get3A_6 = arith.constant 0 : index
    %get3A_7 = vector.load %arg1[%get3A_4, %get3A_5, %get3A_6] : memref<2x1000x128xf32, #tpu.memory_space<vmem>>, vector<1x1000x128xf32>
    %get3A_8 = vector.shape_cast %get3A_7 : vector<1x1000x128xf32> to vector<1000x128xf32>
    %get3A_9 = arith.constant 1 : index
    %get3A_10 = arith.constant 0 : index
    %get3A_11 = arith.constant 0 : index
    %get3A_12 = vector.load %arg1[%get3A_9, %get3A_10, %get3A_11] : memref<2x1000x128xf32, #tpu.memory_space<vmem>>, vector<1x1000x128xf32>
    %get3A_13 = vector.shape_cast %get3A_12 : vector<1x1000x128xf32> to vector<1000x128xf32>
    %add3A = arith.addf %get3A_8, %get3A_13 : vector<1000x128xf32>
    %mul3A = vector.broadcast %get3A_3 : vector<1000x1xf32> to vector<1000x128xf32>
    %mul3A_14 = arith.mulf %mul3A, %add3A : vector<1000x128xf32>
    %mul3A_15 = arith.mulf %get3A_3, %get3A_3 : vector<1000x1xf32>
    %get3A_16 = arith.constant 0 : index
    %get3A_17 = arith.constant 0 : index
    %get3A_18 = vector.load %arg2[%get3A_16, %get3A_17] : memref<1000x128xf32, #tpu.memory_space<vmem>>, vector<1000x128xf32>
    %mul3A_19 = vector.broadcast %mul3A_15 : vector<1000x1xf32> to vector<1000x128xf32>
    %mul3A_20 = arith.mulf %mul3A_19, %get3A_18 : vector<1000x128xf32>
    %add3A_21 = arith.addf %mul3A_14, %mul3A_20 : vector<1000x128xf32>
    %get3A_22 = arith.constant 0 : index
    %get3A_23 = arith.constant 0 : index
    %get3A_24 = vector.load %arg4[%get3A_22, %get3A_23] : memref<1x128xf32, #tpu.memory_space<vmem>>, vector<1x128xf32>
    %add3A_25 = vector.broadcast %get3A_24 : vector<1x128xf32> to vector<1000x128xf32>
    %add3A_26 = arith.addf %add3A_21, %add3A_25 : vector<1000x128xf32>
    %iota3A = tpu.iota {dimensions = array<i32: 0>} : vector<64x1000xi32>
    %get3A_27 = arith.constant 0 : index
    %get3A_28 = arith.constant 0 : index
    %get3A_29 = arith.constant 0 : index
    %get3A_30 = vector.load %arg5[%get3A_27, %get3A_28, %get3A_29] : memref<1x1x1000xi32, #tpu.memory_space<vmem>>, vector<1x1x1000xi32>
    %get3A_31 = vector.shape_cast %get3A_30 : vector<1x1x1000xi32> to vector<1x1000xi32>
    %broadcast_in_dim3A = vector.shape_cast %get3A_31 : vector<1x1000xi32> to vector<1x1000xi32>
    %broadcast_in_dim3A_32 = vector.broadcast %broadcast_in_dim3A : vector<1x1000xi32> to vector<64x1000xi32>
    %eq3A_33 = arith.cmpi eq, %iota3A, %broadcast_in_dim3A_32 : vector<64x1000xi32>
    %jit3A = arith.constant 1.000000e+00 : f32
    %jit3A_34 = arith.constant 0.000000e+00 : f32
    %broadcast_in_dim3A_35 = vector.broadcast %jit3A : f32 to vector<64x1000xf32>
    %broadcast_in_dim3A_36 = vector.broadcast %jit3A_34 : f32 to vector<64x1000xf32>
    %select_n3A = arith.select %eq3A_33, %broadcast_in_dim3A_35, %broadcast_in_dim3A_36 : vector<64x1000xi1>, vector<64x1000xf32>
    %get3A_37 = arith.constant 0 : index
    %get3A_38 = arith.constant 0 : index
    %get3A_39 = vector.load %arg9[%get3A_37, %get3A_38] : memref<64x128xf32, #tpu.memory_space<vmem>>, vector<64x128xf32>
    %dot_general3A = arith.constant dense<0.000000e+00> : vector<64x128xf32>
    %dot_general3A_40 = tpu.matmul %select_n3A, %add3A_26, %dot_general3A {dimension_numbers = #tpu.dot_dimension_numbers<[1], [0], [0], [1], [0, 0, 1, 1], [], []>, transpose_lhs_hint = false} : vector<64x1000xf32>, vector<1000x128xf32>, vector<64x128xf32> -> vector<64x128xf32>
    %add3A_41 = arith.addf %get3A_39, %dot_general3A_40 : vector<64x128xf32>
    %swap3A = arith.constant 0 : index
    %swap3A_42 = arith.constant 0 : index
    %swap3A_43 = vector.load %arg9[%swap3A, %swap3A_42] : memref<64x128xf32, #tpu.memory_space<vmem>>, vector<64x128xf32>
    tpu.vector_store %arg9[%swap3A, %swap3A_42], %add3A_41 {strides = array<i32>} : memref<64x128xf32, #tpu.memory_space<vmem>>, vector<64x128xf32>,
    %get3A_44 = arith.constant 0 : index
    %get3A_45 = arith.constant 0 : index
    %get3A_46 = vector.load %arg10[%get3A_44, %get3A_45] : memref<64x1xf32, #tpu.memory_space<vmem>>, vector<64x1xf32>
    %reduce_sum3A = arith.constant dense<0.000000e+00> : vector<64xf32>
    %reduce_sum3A_47 = vector.multi_reduction <add>, %select_n3A, %reduce_sum3A [1] : vector<64x1000xf32> to vector<64xf32>
    %broadcast_in_dim3A_48 = vector.shape_cast %reduce_sum3A_47 : vector<64xf32> to vector<64x1xf32>
    %add3A_49 = arith.addf %get3A_46, %broadcast_in_dim3A_48 : vector<64x1xf32>
    %swap3A_50 = arith.constant 0 : index
    %swap3A_51 = arith.constant 0 : index
    %swap3A_52 = vector.load %arg10[%swap3A_50, %swap3A_51] : memref<64x1xf32, #tpu.memory_space<vmem>>, vector<64x1xf32>
    tpu.vector_store %arg10[%swap3A_50, %swap3A_51], %add3A_49 {strides = array<i32>} : memref<64x1xf32, #tpu.memory_space<vmem>>, vector<64x1xf32>,
    %eq3A_53 = arith.constant 9 : i32
    %eq3A_54 = arith.cmpi eq, %arg0, %eq3A_53 : i32
    %convert_element_type3A_55 = arith.extui %eq3A_54 : i1 to i32
    %cond3A_56 = arith.constant 0 : i32
    %cond3A_57 = arith.cmpi ne, %convert_element_type3A_55, %cond3A_56 : i32
    scf.if %cond3A_57 {
      %get3A_58 = arith.constant 0 : index
      %get3A_59 = arith.constant 0 : index
      %get3A_60 = vector.load %arg9[%get3A_58, %get3A_59] : memref<64x128xf32, #tpu.memory_space<vmem>>, vector<64x128xf32>
      %get3A_61 = arith.constant 0 : index
      %get3A_62 = arith.constant 0 : index
      %get3A_63 = vector.load %arg10[%get3A_61, %get3A_62] : memref<64x1xf32, #tpu.memory_space<vmem>>, vector<64x1xf32>
      %max3A = arith.constant 1.000000e+00 : f32
      %max3A_64 = vector.broadcast %max3A : f32 to vector<64x1xf32>
      %max3A_65 = arith.maximumf %get3A_63, %max3A_64 : vector<64x1xf32>
      %div3A = vector.broadcast %max3A_65 : vector<64x1xf32> to vector<64x128xf32>
      %div3A_66 = arith.divf %get3A_60, %div3A : vector<64x128xf32>
      %get3A_67 = arith.constant 0 : index
      %get3A_68 = arith.constant 0 : index
      %get3A_69 = vector.load %arg6[%get3A_67, %get3A_68] : memref<128x512xf32, #tpu.memory_space<vmem>>, vector<128x512xf32>
      %dot_general3A_70 = arith.constant dense<0.000000e+00> : vector<64x512xf32>
      %dot_general3A_71 = tpu.matmul %div3A_66, %get3A_69, %dot_general3A_70 {dimension_numbers = #tpu.dot_dimension_numbers<[1], [0], [0], [1], [0, 0, 1, 1], [], []>, transpose_lhs_hint = false} : vector<64x128xf32>, vector<128x512xf32>, vector<64x512xf32> -> vector<64x512xf32>
      %get3A_72 = arith.constant 0 : index
      %get3A_73 = arith.constant 0 : index
      %get3A_74 = vector.load %arg7[%get3A_72, %get3A_73] : memref<1x512xf32, #tpu.memory_space<vmem>>, vector<1x512xf32>
      %add3A_75 = vector.broadcast %get3A_74 : vector<1x512xf32> to vector<64x512xf32>
      %add3A_76 = arith.addf %dot_general3A_71, %add3A_75 : vector<64x512xf32>
      %reduce_max3A = arith.constant dense<0xFF800000> : vector<64xf32>
      %reduce_max3A_77 = vector.multi_reduction <maximumf>, %add3A_76, %reduce_max3A [1] : vector<64x512xf32> to vector<64xf32>
      %broadcast_in_dim3A_78 = vector.shape_cast %reduce_max3A_77 : vector<64xf32> to vector<64x1xf32>
      %sub3A = vector.broadcast %broadcast_in_dim3A_78 : vector<64x1xf32> to vector<64x512xf32>
      %sub3A_79 = arith.subf %add3A_76, %sub3A : vector<64x512xf32>
      %exp3A = math.exp %sub3A_79 : vector<64x512xf32>
      %reduce_sum3A_80 = arith.constant dense<0.000000e+00> : vector<64xf32>
      %reduce_sum3A_81 = vector.multi_reduction <add>, %exp3A, %reduce_sum3A_80 [1] : vector<64x512xf32> to vector<64xf32>
      %broadcast_in_dim3A_82 = vector.shape_cast %reduce_sum3A_81 : vector<64xf32> to vector<64x1xf32>
      %div3A_83 = vector.broadcast %broadcast_in_dim3A_82 : vector<64x1xf32> to vector<64x512xf32>
      %div3A_84 = arith.divf %exp3A, %div3A_83 : vector<64x512xf32>
      %ge3A = arith.constant 5.000000e-01 : f32
      %ge3A_85 = vector.broadcast %ge3A : f32 to vector<64x512xf32>
      %ge3A_86 = arith.cmpf oge, %div3A_84, %ge3A_85 : vector<64x512xf32>
      %jit3A_87 = arith.constant 1.000000e+00 : f32
      %jit3A_88 = arith.constant 0.000000e+00 : f32
      %broadcast_in_dim3A_89 = vector.broadcast %jit3A_87 : f32 to vector<64x512xf32>
      %broadcast_in_dim3A_90 = vector.broadcast %jit3A_88 : f32 to vector<64x512xf32>
      %select_n3A_91 = arith.select %ge3A_86, %broadcast_in_dim3A_89, %broadcast_in_dim3A_90 : vector<64x512xi1>, vector<64x512xf32>
      %swap3A_92 = arith.constant 0 : index
      %swap3A_93 = arith.constant 0 : index
      %swap3A_94 = vector.load %arg8[%swap3A_92, %swap3A_93] : memref<64x512xf32, #tpu.memory_space<vmem>>, vector<64x512xf32>
      tpu.vector_store %arg8[%swap3A_92, %swap3A_93], %select_n3A_91 {strides = array<i32>} : memref<64x512xf32, #tpu.memory_space<vmem>>, vector<64x512xf32>,
    } else {
    }
    return
  }
  func.func @transform_0(%arg0: i32) -> (i32, i32, i32) {
    %c0_i32 = arith.constant 0 : i32
    %c0_i32_0 = arith.constant 0 : i32
    %c0_i32_1 = arith.constant 0 : i32
    return %c0_i32, %arg0, %c0_i32_0 : i32, i32, i32
  }
  func.func @transform_1(%arg0: i32) -> (i32, i32) {
    %c0_i32 = arith.constant 0 : i32
    %c0_i32_0 = arith.constant 0 : i32
    return %arg0, %c0_i32 : i32, i32
  }
  func.func @transform_2(%arg0: i32) -> (i32, i32) {
    %c0_i32 = arith.constant 0 : i32
    %c0_i32_0 = arith.constant 0 : i32
    return %arg0, %c0_i32 : i32, i32
  }
  func.func @transform_3(%arg0: i32) -> (i32, i32) {
    %c0_i32 = arith.constant 0 : i32
    %c0_i32_0 = arith.constant 0 : i32
    %c0_i32_1 = arith.constant 0 : i32
    return %c0_i32, %c0_i32_0 : i32, i32
  }
  func.func @transform_4(%arg0: i32) -> (i32, i32, i32) {
    %c0_i32 = arith.constant 0 : i32
    %c0_i32_0 = arith.constant 0 : i32
    %c0_i32_1 = arith.constant 0 : i32
    return %arg0, %c0_i32, %c0_i32_0 : i32, i32, i32
  }
  func.func @transform_5(%arg0: i32) -> (i32, i32) {
    %c0_i32 = arith.constant 0 : i32
    %c0_i32_0 = arith.constant 0 : i32
    %c0_i32_1 = arith.constant 0 : i32
    return %c0_i32, %c0_i32_0 : i32, i32
  }
  func.func @transform_6(%arg0: i32) -> (i32, i32) {
    %c0_i32 = arith.constant 0 : i32
    %c0_i32_0 = arith.constant 0 : i32
    %c0_i32_1 = arith.constant 0 : i32
    return %c0_i32, %c0_i32_0 : i32, i32
  }
  func.func @transform_7(%arg0: i32) -> (i32, i32) {
    %c0_i32 = arith.constant 0 : i32
    %c0_i32_0 = arith.constant 0 : i32
    %c0_i32_1 = arith.constant 0 : i32
    return %c0_i32, %c0_i32_0 : i32, i32
  }
}

</mosaic_0001>

<sc_bundles>
// kernel: kernel.11.cloned.1.call-start
scs
__scs_entry_jumppad:
0x0: {  	(pc) =	sbr.rel $0x88, $3  }
0x1: {  	(tag) =	ssettag $0x0;
	lr =	simm.s32 $0x1  }
0x2: {  	[smem:$0x3F96] =	sst lr;
	_ =	strace $0xD0000000  }
0x3: {  	_ = 	snop  }
0x4: {  	_ = 	snop  }
0x5: {  	_ = 	snop  }
0x6: {  	_ = 	snop  }
0x7: {  	_ = 	snop  }
__scs_overlays_trampoline_lowered:
0x8: {  	[smem:$0x3FA5] =	sst s0  }
0x9: {  	[smem:$0x3FA6] =	sst s1  }
0xa: {  	[smem:$0x3FA7] =	sst s2  }
0xb: {  	[smem:$0x3FA8] =	sst s3  }
0xc: {  	[smem:$0x3FA9] =	sst s4  }
0xd: {  	[smem:$0x3FAA] =	sst s5  }
0xe: {  	[smem:$0x3FAB] =	sst s6  }
0xf: {  	[smem:$0x3FAC] =	sst s7  }
0x10: {  	[smem:$0x3FAD] =	sst s8  }
0x11: {  	[smem:$0x3FAE] =	sst s9;
	s0 =	simm.s32 @!p0 $0x0  }
0x12: {  	s1 =	sld [smem:$0x3F94];
	s0 =	simm.s32 @p0 $0x1  }
0x13: {  	[smem:$0x3FAF] =	sst s0;
	s0 =	simm.s32 @!p1 $0x0  }
0x14: {  	s2 =	sld [smem:$0x3F93];
	s0 =	simm.s32 @p1 $0x1  }
0x15: {  	[smem:$0x3FB0] =	sst s0;
	s0 =	simm.s32 @!p2 $0x0  }
0x16: {  	s3 =	sld [smem:$0x3FDB];
	s0 =	simm.s32 @p2 $0x1  }
0x17: {  	s4 =	simm.s32 $0x1BF5;
	[smem:$0x3FB2] =	sst s0  }
0x18: {  	s0 =	sld [smem:$0x3F95];
	_ =	swait.ge [sflag:s4], $0x0  }
0x19: {  	s7 =	sld [smem:$0x3F96]  }
0x1a: {  	s8 =	sadd.s32 $0xFFFFE003, lr  }
0x1b: {  	s9 =	sadd.s32 $0xFFFFFEF7, lr;
	s5 =	simm.s32 $0xFFFFFFFF;
	p2 =	slt.u32 s8, $0xFFFFF086  }
0x1c: {  	p1 =	slt.u32 s9, $0xF7A;
	s5 =	simm.s32 @!p2 $0x0  }
0x1d: {  	s5 =	simm.s32 @p1 $0x1;
	p0 =	seq.s32 s7, s2  }
0x1e: {  	s7 =	smul.u32 @!p0 $0xF7A, s2;
	p2 =	seq.s32 @!p0 s5, $0x0  }
0x1f: {  	s9 =	smul.u32 $0xF7A, s1;
	s8 =	simm.s32 @!p0 $0x1BF5;
	p2 =	por !p2, p0  }
0x20: {  	[sflag:s8] =	ssyncset.s32 @!p0 $0xFFFFF086;
	s6 =	sadd.s32 @!p0 s3, s7;
	s7 =	simm.s32 @!p0 $0x108  }
0x21: {  	s3 =	sadd.s32 s3, s9;
	s6 =	sadd.s32 @!p0 $0x88, s6;
	s7 =	simm.s32 @p2 $0x1082  }
0x22: {  	[simem:s7], [sflag:s8] =	dma.local @!p0 [hbm:s6], $0xF7A  }
0x23: {  	s9 =	sor.u32 $0xD0000000, s2;
	s6 =	simm.s32 $0x108;
	_ =	swait.ge @!p0 [sflag:s8], $0x0  }
0x24: {  	s3 =	sadd.s32 $0x88, s3;
	s6 =	simm.s32 @!p1 $0x1082;
	[sflag:s4] =	ssyncset.s32 $0xFFFFF086  }
0x25: {  	[simem:s6], [sflag:s4] =	dma.local [hbm:s3], $0xF7A  }
0x26: {  	[smem:$0x3F96] =	sst s1;
	(tag) =	ssettag s2;
	_ =	strace s9  }
0x27: {  	s1 =	sld [smem:$0x3FA6]  }
0x28: {  	s2 =	sld [smem:$0x3FA7]  }
0x29: {  	s4 =	sld [smem:$0x3FA9]  }
0x2a: {  	p0 =	seq.s32 s5, $0x0;
	s5 =	sld [smem:$0x3FAA]  }
0x2b: {  	s6 =	sld [smem:$0x3FAB]  }
0x2c: {  	s7 =	sld [smem:$0x3FAC]  }
0x2d: {  	s3 =	simm.s32 $0x108;
	s8 =	sld [smem:$0x3FAD]  }
0x2e: {  	s3 =	simm.s32 @!p0 $0x1082;
	s9 =	sld [smem:$0x3FAE]  }
0x2f: {  	lr =	sadd.s32 s0, s3;
	s0 =	sld [smem:$0x3FA5]  }
0x30: {  	s3 =	sld [smem:$0x3FA8]  }
0x31: {  	[smem:$0x3FB1] =	sst s10  }
0x32: {  	s10 =	sld [smem:$0x3FAF];
	_ =	sdelay $0x3  }
0x33: {  	p0 =	seq.s32 s10, $0x1;
	s10 =	sld [smem:$0x3FB1];
	_ =	sdelay $0x3  }
0x34: {  	[smem:$0x3FB1] =	sst s10  }
0x35: {  	s10 =	sld [smem:$0x3FB0];
	_ =	sdelay $0x3  }
0x36: {  	p1 =	seq.s32 s10, $0x1;
	s10 =	sld [smem:$0x3FB1];
	_ =	sdelay $0x3  }
0x37: {  	[smem:$0x3FB1] =	sst s10  }
0x38: {  	s10 =	sld [smem:$0x3FB2]  }
0x39: {  	_ = 	snop;
	(pc) =	sbr.ind lr, $3  }
0x3a: {  	_ = 	snop  }
0x3b: {  	_ = 	snop  }
0x3c: {  	p2 =	seq.s32 s10, $0x1;
	s10 =	sld [smem:$0x3FB1]  }
0x3d: {  	_ =	shalt  }
0x3e: {  	_ =	shalt  }
0x3f: {  	_ =	shalt  }
0x40: {  	_ =	shalt  }
0x41: {  	_ =	shalt  }
0x42: {  	_ =	shalt  }
0x43: {  	_ =	shalt  }
0x44: {  	_ =	shalt  }
0x45: {  	_ =	shalt  }
0x46: {  	_ =	shalt  }
0x47: {  	_ =	shalt  }
0x48: {  	_ =	shalt  }
0x49: {  	_ =	shalt  }
0x4a: {  	_ =	shalt  }
0x4b: {  	_ =	shalt  }
0x4c: {  	_ =	shalt  }
0x4d: {  	_ =	shalt  }
0x4e: {  	_ =	shalt  }
0x4f: {  	_ =	shalt  }
0x50: {  	_ =	shalt  }
0x51: {  	_ =	shalt  }
0x52: {  	_ =	shalt  }
0x53: {  	_ =	shalt  }
0x54: {  	_ =	shalt  }
0x55: {  	_ =	shalt  }
0x56: {  	_ =	shalt  }
0x57: {  	_ =	shalt  }
0x58: {  	_ =	shalt  }
0x59: {  	_ =	shalt  }
0x5a: {  	_ =	shalt  }
0x5b: {  	_ =	shalt  }
0x5c: {  	_ =	shalt  }
0x5d: {  	_ =	shalt  }
0x5e: {  	_ =	shalt  }
0x5f: {  	_ =	shalt  }
0x60: {  	_ =	shalt  }
0x61: {  	_ =	shalt  }
0x62: {  	_ =	shalt  }
0x63: {  	_ =	shalt  }
0x64: {  	_ =	shalt  }
0x65: {  	_ =	shalt  }
0x66: {  	_ =	shalt  }
0x67: {  	_ =	shalt  }
0x68: {  	_ =	shalt  }
0x69: {  	_ =	shalt  }
0x6a: {  	_ =	shalt  }
0x6b: {  	_ =	shalt  }
0x6c: {  	_ =	shalt  }
0x6d: {  	_ =	shalt  }
0x6e: {  	_ =	shalt  }
0x6f: {  	_ =	shalt  }
0x70: {  	_ =	shalt  }
0x71: {  	_ =	shalt  }
0x72: {  	_ =	shalt  }
0x73: {  	_ =	shalt  }
0x74: {  	_ =	shalt  }
0x75: {  	_ =	shalt  }
0x76: {  	_ =	shalt  }
0x77: {  	_ =	shalt  }
0x78: {  	_ =	shalt  }
0x79: {  	_ =	shalt  }
0x7a: {  	_ =	shalt  }
0x7b: {  	_ =	shalt  }
0x7c: {  	_ =	shalt  }
0x7d: {  	_ =	shalt  }
0x7e: {  	_ =	shalt  }
0x7f: {  	_ =	shalt  }
0x80: {  	_ =	shalt  }
0x81: {  	_ =	shalt  }
0x82: {  	_ =	shalt  }
0x83: {  	_ =	shalt  }
0x84: {  	_ =	shalt  }
0x85: {  	_ =	shalt  }
0x86: {  	_ =	shalt  }
0x87: {  	_ =	shalt  }
.Lfunc_end0:
.L_simem_size_0:
called_computation_lowered:
.L_overlay_start_0:
0x88: {  	s2 =	sld [smem:$0x3FD9]  }
0x89: {  	s3 =	sld [smem:$0x3FFE];
	_ =	sdelay $0x1  }
0x8a: {  	s1 =	srdreg.scid  }
0x8b: {  	s0 =	sand.u32 $0x1, s1  }
0x8c: {  	s16 =	sshll.u32 s0, $0xA;
	s2 =	sadd.s32 s3, s2  }
0x8d: {  	s2 =	sadd.s32 s2, s16  }
0x8e: {  	[smem:$0x3FBD] =	sst s2  }
0x8f: {  	_ = 	snop  }
0x90: {  	(tm) =	ssettm $0x1  }
0x91: {  	s17 =	sld [smem:$0x3FFB];
	_ =	sdelay $0x3  }
0x92: {  	_ =	strace s17  }
0x93: {  	s2 =	sld [smem:$0x3FFC];
	_ =	sdelay $0x3  }
0x94: {  	_ =	strace s2  }
0x95: {  	s2 =	sld [smem:$0x3FFD];
	_ =	sdelay $0x3  }
0x96: {  	_ =	strace s2  }
0x97: {  	_ =	strace $0x8FFFFFFF  }
0x98: {  	s18 =	sld [smem:$0x3FDB];
	_ =	sdelay $0x1  }
0x99: {  	s19 =	simm.s32 $_scs_section_size  }
0x9a: {  	s4 =	simm.s32 $_size__tile_overlayer_lowered;
	s5 =	simm.s32 $_tile_overlayer_lowered  }
0x9b: {  	s22 =	simm.s32 $0x1BFF;
	s21 =	sshll.u32 s5, $0x1;
	s2 =	sadd.s32 s19, s18  }
0x9c: {  	s6 =	simm.s32 $0x0;
	s20 =	sshll.u32 s4, $0x1;
	s4 =	sadd.s32 s21, s2  }
0x9d: {  	[timem:s6], [sflag:s22] =	dma.local [hbm:s4], s20  }
0x9e: {  	_ =	swait.ge [sflag:s22], s20  }
0x9f: {  	s3 =	ssub.s32 $0x0, s20;
	[sflag:s22] =	ssyncset.done $0x0  }
0xa0: {  	[sflag:s22] =	ssyncadd.s32 s3;
	_ =	sdelay $0x1  }
0xa1: {  	s23 =	simm.s32 $0x1B8B  }
0xa2: {  	_ =	swait.ge [sflag:s23], $0x1  }
0xa3: {  	[sflag:s23] =	ssyncset.done $0x0  }
0xa4: {  	s25 =	simm.s32 $0x1B8E;
	s24 =	sld [smem:$0x3FFE];
	[sflag:s23] =	ssyncadd.s32 $0xFFFFFFFF  }
0xa5: {  	s26 =	simm.s32 $execute0_lowered;
	[smem:$0x3FD2] =	sst s25  }
0xa6: {  	s4 =	sshll.u32 s26, $0x1;
	_ =	strace $0x80000046;
	[dreg:$0x1] =	wrdreg $0xFFFFFFFF  }
0xa7: {  	s28 =	simm.s32 $_size_execute0_lowered;
	s2 =	sadd.s32 s2, s4;
	[dreg:$0x0] =	wrdreg $0x0  }
0xa8: {  	s4 =	sshll.u32 s28, $0x1;
	[dreg:$0x2] =	wrdreg s2  }
0xa9: {  	[dreg:$0x3] =	wrdreg s4  }
0xaa: {  	[dreg:$0x4] =	wrdreg $0xC0  }
0xab: {  	_ =	task [dreg:s6], $0x5FFFF  }
0xac: {  	[dreg:$0x1] =	wrdreg $0xFFFFFFFF  }
0xad: {  	[dreg:$0x0] =	wrdreg $0x60  }
0xae: {  	[dreg:$0x2] =	wrdreg s24  }
0xaf: {  	[dreg:$0x3] =	wrdreg $0x70000  }
0xb0: {  	[dreg:$0x4] =	wrdreg $0x9  }
0xb1: {  	_ =	task.clear_ibuf [dreg:s6], $0x5FFFF;
	_ =	strace $0x90000046  }
0xb2: {  	s29 =	simm.s32 $0x9;
	_ =	strace $0x80000048  }
0xb3: {  	_ =	swait.ge [sflag:s29], $0x1  }
0xb4: {  	[sflag:s29] =	ssyncadd.s32 $0xFFFFFFFF  }
0xb5: {  	_ =	strace $0x90000048  }
0xb6: {  	_ =	sfence  }
0xb7: {  	s30 =	sld [smem:$0x0];
	_ =	sdelay $0x2  }
0xb8: {  	s31 =	sshll.u32 s1, $0xD;
	s1 =	sshrl.u32 s1, $0x2  }
0xb9: {  	s3 =	sand.u32 $0x4000, s31;
	s1 =	sadd.s32 s1, s30  }
0xba: {  	s0 =	sor.u32 s3, s0;
	s1 =	sshll.u32 s1, $0x11  }
0xbb: {  	s0 =	sor.u32 s1, s0  }
0xbc: {  	s0 =	sadd.s32 $0x8F2B, s0  }
0xbd: {  	[sflag:s0] =	ssyncadd.remote.s32 $0x1  }
0xbe: {  	_ =	sfence.sel $0xFFFF  }
0xbf: {  	[dreg:$0x0] =	wrdreg $0xFFFFFFFF;
	(pc) =	sbr.abs _section_cstart, $3  }
0xc0: {  	[dreg:$0x1] =	wrdreg $0xFFFFFFFF  }
0xc1: {  	_ =	task.clear_ibuf [dreg:s6], $0x2FFFF;
	_ =	strace $0x9FFFFFFF  }
0xc2: {  	(tm) =	ssettm $0x7FFFFFFF  }
0xc3: {  	_ =	shalt  }
tec
execute0_lowered:
.L_overlay_start_1:
0x0: {  	(tag) =	ssettag $0x1  }
0x1: {  	s5 =	rddreg [dreg:$0x0]  }
0x2: {  	s0 =	srdreg.scid;
	s2 =	rddreg [dreg:$0x1]  }
0x3: {  	s3 =	simm.s32 $0x0;
	s4 =	sand.u32 $0x1, s0;
	s0 =	stileid.u32  }
0x4: {  	s13 =	simm.s32 $0x2800;
	[smem:$0x7FF] =	sst s3;
	s7 =	smul.u32 $0x4E000, s0  }
0x5: {  	s11 =	sadd.s32 $0xD800, s5;
	s1 =	sshll.u32 s4, $0x4;
	s9 =	smul.u32 $0x138800, s4  }
0x6: {  	s8 =	ssub.s32 $0x2, s4;
	s10 =	smul.u32 $0x13800, s0;
	p0 =	sne.s32 s0, $0xF  }
0x7: {  	s6 =	sor.u32 s0, s1;
	s1 =	rddreg [dreg:$0x2];
	s28 =	sshrl.u32 s8, $0x1  }
0x8: {  	_ =	strace $0x80000047;
	s6 =	smul.u32 $0x500, s6;
	s12 =	ssub.s32 s8, s28  }
0x9: {  	s29 =	sshrl.u32 s7, $0x2;
	s30 =	sadd.s32 s10, s9;
	s31 =	sshrl.u32 s9, $0x3  }
0xa: {  	s10 =	simm.s32 $0x6800;
	s4 =	sadd.s32 s29, s2;
	s7 =	sshrl.u32 s30, $0x3  }
0xb: {  	s8 =	sadd.s32 s11, s31;
	s9 =	smax.u32 s12, $0x1;
	s12 =	simm.s32 $0x80  }
0xc: {  	s6 =	sadd.s32 s6, s5;
	s5 =	sadd.s32 $0x138000, s2;
	s7 =	sadd.s32 s11, s7  }
0xd: {  	v0 =	vimm.f32 $0.0e+00;
	v1 =	vimm.f32 $1.000000000e+00;
	s8 =	sadd.s32 $0x27000, s8;
	s11 =	simm.s32 $0x1;
	s6 =	sadd.s32 $0x3800, s6  }
.LBB2_1:
0xe: {  	s14 =	simm.s32 $0x0;
	s15 =	simm.s32 $0x200  }
.LBB2_2:
0xf: {  	p1 =	sne.s32 s15, $0x1E00;
	[tilespmem:s14+$0x6870] =	vst v0  }
0x10: {  	[tilespmem:s14+$0x6800] =	vst v0  }
0x11: {  	[tilespmem:s14+$0x6810] =	vst v0  }
.Ltmp0:
0x12: {  	[tilespmem:s14+$0x6820] =	vst v0;
	(pc) =	sbr.rel @p1 .LBB2_2-.Ltmp0, $4  }
0x13: {  	[tilespmem:s14+$0x6830] =	vst v0  }
0x14: {  	[tilespmem:s14+$0x6840] =	vst v0  }
0x15: {  	[tilespmem:s14+$0x6850] =	vst v0  }
0x16: {  	[tilespmem:s14+$0x6860] =	vst v0;
	s14 =	sshra.s32 s15, $0x2;
	s15 =	sadd.s32 $0x200, s15  }
0x17: {  	[tilespmem:s14+$0x6870] =	vst v0  }
0x18: {  	[tilespmem:s14+$0x6800] =	vst v0  }
0x19: {  	[tilespmem:s14+$0x6810] =	vst v0  }
0x1a: {  	[tilespmem:s14+$0x6820] =	vst v0  }
0x1b: {  	[tilespmem:s14+$0x6830] =	vst v0  }
0x1c: {  	[tilespmem:s14+$0x6840] =	vst v0  }
0x1d: {  	[tilespmem:s14+$0x6850] =	vst v0  }
0x1e: {  	[tilespmem:s14+$0x6860] =	vst v0;
	s14 =	simm.s32 $0x0;
	s15 =	simm.s32 $0x200  }
.LBB2_4:
0x1f: {  	p1 =	sne.s32 s15, $0xFE00;
	[tilespmem:s14+$0x2870] =	vst v1  }
0x20: {  	[tilespmem:s14+$0x2800] =	vst v1  }
0x21: {  	[tilespmem:s14+$0x2810] =	vst v1  }
.Ltmp1:
0x22: {  	[tilespmem:s14+$0x2820] =	vst v1;
	(pc) =	sbr.rel @p1 .LBB2_4-.Ltmp1, $4  }
0x23: {  	[tilespmem:s14+$0x2830] =	vst v1  }
0x24: {  	[tilespmem:s14+$0x2840] =	vst v1  }
0x25: {  	[tilespmem:s14+$0x2850] =	vst v1  }
0x26: {  	[tilespmem:s14+$0x2860] =	vst v1;
	s14 =	sshra.s32 s15, $0x2;
	s15 =	sadd.s32 $0x200, s15  }
0x27: {  	[tilespmem:s14+$0x2870] =	vst v1  }
0x28: {  	[tilespmem:s14+$0x2800] =	vst v1  }
0x29: {  	[tilespmem:s14+$0x2810] =	vst v1  }
0x2a: {  	[tilespmem:s14+$0x2820] =	vst v1  }
0x2b: {  	[tilespmem:s14+$0x2830] =	vst v1  }
0x2c: {  	[tilespmem:s14+$0x2840] =	vst v1  }
0x2d: {  	[tilespmem:s14+$0x2850] =	vst v1  }
0x2e: {  	[tilespmem:s14+$0x2860] =	vst v1;
	s31 =	sadd.s32 $0x0, s4  }
0x2f: {  	[spmem:s31] =	stream.linear.scatter [tilespmem:s10], [sflag:$0x1], $0x800, $0x38;
	[tilespmem:$0x1A8C0] =	vst v63  }
0x30: {  	s14 =	simm.s32 $0x2000;
	_ =	swait.ge [sflag:s11], $0x800  }
.LBB2_6:
0x31: {  	s15 =	sshra.s32 s14, $0x2;
	[sflag:s11] =	ssyncset.done $0x0;
	p1 =	sne.s32 s14, $0x4C000  }
.Ltmp2:
0x32: {  	s15 =	sadd.s32 s15, s4;
	[sflag:s11] =	ssyncadd.s32 $0xFFFFF800;
	(pc) =	sbr.rel @p1 .LBB2_6-.Ltmp2, $3  }
0x33: {  	[spmem:s15] =	stream.linear.scatter [tilespmem:s10], [sflag:$0x1], $0x800, $0x38;
	[tilespmem:$0x1A8C0] =	vst v63  }
0x34: {  	s14 =	sadd.s32 $0x2000, s14;
	_ =	sdelay $0x1  }
0x35: {  	_ =	swait.ge [sflag:s11], $0x800  }
0x36: {  	[sflag:s11] =	ssyncset.done $0x0  }
0x37: {  	s14 =	simm.s32 @!p0 $0x6800;
	[sflag:s11] =	ssyncadd.s32 $0xFFFFF800  }
0x38: {  	[spmem:s5] =	stream.linear.scatter @!p0 [tilespmem:s14], [sflag:$0x1], $0x800, $0x38;
	[tilespmem:$0x1A8C0] =	vst v63  }
0x39: {  	s14 =	simm.s32 @!p0 $0x1  }
0x3a: {  	_ =	swait.ge @!p0 [sflag:s14], $0x800  }
0x3b: {  	[sflag:s14] =	ssyncset.done @!p0 $0x0  }
0x3c: {  	[sflag:s14] =	ssyncadd.s32 @!p0 $0xFFFFF800  }
0x3d: {  	s30 =	simm.s32 $0x0;
	[bflag:$0x0] =	sbarrier.arrive $0xFFFF  }
0x3e: {  	[tilespmem:s30], [sflag:$0x1] =	stream.linear.gather [hbm4b:s6+s30], $0x2780, $0x38;
	[tilespmem:$0x1A8C0] =	vst v63  }
0x3f: {  	_ =	swait.ge [sflag:s11], $0x2780  }
0x40: {  	[sflag:s11] =	ssyncset.done $0x0  }
0x41: {  	s31 =	simm.s32 $0x0;
	[sflag:s11] =	ssyncadd.s32 $0xFFFFD880  }
0x42: {  	[spmem:s2] =	stream.indirect.scatter.add.f32 [tilespmem:s13], [sflag:$0x1], $0x80, s31, s12, $0xb8;
	[tilespmem:$0x1A8C0] =	vst v63  }
0x43: {  	_ =	swait.ge [sflag:s11], $0x4000  }
0x44: {  	s14 =	simm.s32 $0x200;
	[sflag:s11] =	ssyncset.done $0x0  }
.LBB2_8:
0x45: {  	s15 =	sshra.s32 s14, $0x2;
	[sflag:s11] =	ssyncadd.s32 $0xFFFFC000;
	p1 =	sne.s32 s14, $0x9C00  }
0x46: {  	[spmem:s2] =	stream.indirect.scatter.add.f32 [tilespmem:s13], [sflag:$0x1], $0x80, s15, s12, $0xb8;
	[tilespmem:$0x1A8C0] =	vst v63  }
.Ltmp3:
0x47: {  	_ = 	snop;
	(pc) =	sbr.rel @p1 .LBB2_8-.Ltmp3, $4  }
0x48: {  	_ = 	snop  }
0x49: {  	s14 =	sadd.s32 $0x200, s14  }
0x4a: {  	_ =	swait.ge [sflag:s11], $0x4000  }
0x4b: {  	[sflag:s11] =	ssyncset.done $0x0  }
0x4c: {  	[sflag:s11] =	ssyncadd.s32 $0xFFFFC000;
	s14 =	sshll.u32 s0, $0x6  }
0x4d: {  	s15 =	sshrl.u32 s4, $0x3;
	[bflag:$0x0] =	sbarrier.arrive $0xFFFF;
	s14 =	sor.u32 $0x1C01, s14  }
0x4e: {  	[hbm:s7], [sflag:s14] =	dma.local [spmem:s15], $0x2700  }
0x4f: {  	_ =	swait.ge [sflag:s11], $0x2700  }
0x50: {  	s3 =	sadd.s32 $0x1, s3;
	[sflag:s11] =	ssyncset.done $0x0  }
0x51: {  	p1 =	sne.s32 s3, s9;
	s15 =	sshrl.u32 @!p0 s5, $0x3;
	[sflag:s11] =	ssyncadd.s32 $0xFFFFD900  }
0x52: {  	[hbm:s8], [sflag:s14] =	dma.local @!p0 [spmem:s15], $0x100  }
.Ltmp4:
0x53: {  	_ = 	snop;
	(pc) =	sbr.rel @p1 .LBB2_1-.Ltmp4, $4  }
0x54: {  	s14 =	simm.s32 @!p0 $0x1  }
0x55: {  	_ =	swait.ge @!p0 [sflag:s14], $0x100  }
0x56: {  	[sflag:s14] =	ssyncset.done @!p0 $0x0  }
0x57: {  	[sflag:s14] =	ssyncadd.s32 @!p0 $0xFFFFFF00  }
0x58: {  	_ =	sfence.sel $0x180000  }
0x59: {  	[bflag:$0x0] =	sbarrier.arrive $0xFFFF  }
0x5a: {  	p0 =	sne.s32 s0, $0x0;
	_ =	strace $0x90000047  }
0x5b: {  	s0 =	sadd.s32 @!p0 $0x100000, s1;
	[bflag:$0x2] =	sbarrier.arrive $0xFFFF  }
0x5c: {  	[sflag:s0] =	ssyncadd.tile.s32 @!p0 $0x1;
	_ =	shalt  }
.Lfunc_end2:
_tile_overlayer_lowered:
.L_overlay_start_2:
0x5d: {  	(tag) =	ssettag $0x2  }
0x5e: {  	s0 =	rddreg [dreg:$0x0];
	s2 =	stileid.u32  }
0x5f: {  	s1 =	rddreg [dreg:$0x1];
	p0 =	sne.s32 s2, $0x0  }
0x60: {  	s3 =	rddreg [dreg:$0x2];
	[bflag:$0x3] =	sbarrier.arrive $0xFFFF;
	s2 =	simm.s32 @!p0 $0x1C01  }
0x61: {  	[timem:s3], [sflag:s2] =	dma.local @!p0 [hbm:s0], s1  }
0x62: {  	s0 =	simm.s32 @!p0 $0x1  }
0x63: {  	_ =	swait.ge @!p0 [sflag:s0], s1  }
0x64: {  	s1 =	ssub.s32 @!p0 $0x0, s1;
	[sflag:s0] =	ssyncset.done @!p0 $0x0  }
0x65: {  	[sflag:s0] =	ssyncadd.s32 @!p0 s1  }
0x66: {  	[bflag:$0x3] =	sbarrier.arrive $0xFFFF  }
0x67: {  	_ =	shalt  }

// kernel: kernel.14.cloned.1.call-start
scs
__scs_entry_jumppad:
0x0: {  	(pc) =	sbr.rel $0x88, $3  }
0x1: {  	(tag) =	ssettag $0x0;
	lr =	simm.s32 $0x1  }
0x2: {  	[smem:$0x3F96] =	sst lr;
	_ =	strace $0xD0000000  }
0x3: {  	_ = 	snop  }
0x4: {  	_ = 	snop  }
0x5: {  	_ = 	snop  }
0x6: {  	_ = 	snop  }
0x7: {  	_ = 	snop  }
__scs_overlays_trampoline_lowered:
0x8: {  	[smem:$0x3FA5] =	sst s0  }
0x9: {  	[smem:$0x3FA6] =	sst s1  }
0xa: {  	[smem:$0x3FA7] =	sst s2  }
0xb: {  	[smem:$0x3FA8] =	sst s3  }
0xc: {  	[smem:$0x3FA9] =	sst s4  }
0xd: {  	[smem:$0x3FAA] =	sst s5  }
0xe: {  	[smem:$0x3FAB] =	sst s6  }
0xf: {  	[smem:$0x3FAC] =	sst s7  }
0x10: {  	[smem:$0x3FAD] =	sst s8  }
0x11: {  	[smem:$0x3FAE] =	sst s9;
	s0 =	simm.s32 @!p0 $0x0  }
0x12: {  	s1 =	sld [smem:$0x3F94];
	s0 =	simm.s32 @p0 $0x1  }
0x13: {  	[smem:$0x3FAF] =	sst s0;
	s0 =	simm.s32 @!p1 $0x0  }
0x14: {  	s2 =	sld [smem:$0x3F93];
	s0 =	simm.s32 @p1 $0x1  }
0x15: {  	[smem:$0x3FB0] =	sst s0;
	s0 =	simm.s32 @!p2 $0x0  }
0x16: {  	s3 =	sld [smem:$0x3FDB];
	s0 =	simm.s32 @p2 $0x1  }
0x17: {  	s4 =	simm.s32 $0x1BF5;
	[smem:$0x3FB2] =	sst s0  }
0x18: {  	s0 =	sld [smem:$0x3F95];
	_ =	swait.ge [sflag:s4], $0x0  }
0x19: {  	s7 =	sld [smem:$0x3F96]  }
0x1a: {  	s8 =	sadd.s32 $0xFFFFE003, lr  }
0x1b: {  	s9 =	sadd.s32 $0xFFFFFEF7, lr;
	s5 =	simm.s32 $0xFFFFFFFF;
	p2 =	slt.u32 s8, $0xFFFFF086  }
0x1c: {  	p1 =	slt.u32 s9, $0xF7A;
	s5 =	simm.s32 @!p2 $0x0  }
0x1d: {  	s5 =	simm.s32 @p1 $0x1;
	p0 =	seq.s32 s7, s2  }
0x1e: {  	s7 =	smul.u32 @!p0 $0xF7A, s2;
	p2 =	seq.s32 @!p0 s5, $0x0  }
0x1f: {  	s9 =	smul.u32 $0xF7A, s1;
	s8 =	simm.s32 @!p0 $0x1BF5;
	p2 =	por !p2, p0  }
0x20: {  	[sflag:s8] =	ssyncset.s32 @!p0 $0xFFFFF086;
	s6 =	sadd.s32 @!p0 s3, s7;
	s7 =	simm.s32 @!p0 $0x108  }
0x21: {  	s3 =	sadd.s32 s3, s9;
	s6 =	sadd.s32 @!p0 $0x88, s6;
	s7 =	simm.s32 @p2 $0x1082  }
0x22: {  	[simem:s7], [sflag:s8] =	dma.local @!p0 [hbm:s6], $0xF7A  }
0x23: {  	s9 =	sor.u32 $0xD0000000, s2;
	s6 =	simm.s32 $0x108;
	_ =	swait.ge @!p0 [sflag:s8], $0x0  }
0x24: {  	s3 =	sadd.s32 $0x88, s3;
	s6 =	simm.s32 @!p1 $0x1082;
	[sflag:s4] =	ssyncset.s32 $0xFFFFF086  }
0x25: {  	[simem:s6], [sflag:s4] =	dma.local [hbm:s3], $0xF7A  }
0x26: {  	[smem:$0x3F96] =	sst s1;
	(tag) =	ssettag s2;
	_ =	strace s9  }
0x27: {  	s1 =	sld [smem:$0x3FA6]  }
0x28: {  	s2 =	sld [smem:$0x3FA7]  }
0x29: {  	s4 =	sld [smem:$0x3FA9]  }
0x2a: {  	p0 =	seq.s32 s5, $0x0;
	s5 =	sld [smem:$0x3FAA]  }
0x2b: {  	s6 =	sld [smem:$0x3FAB]  }
0x2c: {  	s7 =	sld [smem:$0x3FAC]  }
0x2d: {  	s3 =	simm.s32 $0x108;
	s8 =	sld [smem:$0x3FAD]  }
0x2e: {  	s3 =	simm.s32 @!p0 $0x1082;
	s9 =	sld [smem:$0x3FAE]  }
0x2f: {  	lr =	sadd.s32 s0, s3;
	s0 =	sld [smem:$0x3FA5]  }
0x30: {  	s3 =	sld [smem:$0x3FA8]  }
0x31: {  	[smem:$0x3FB1] =	sst s10  }
0x32: {  	s10 =	sld [smem:$0x3FAF];
	_ =	sdelay $0x3  }
0x33: {  	p0 =	seq.s32 s10, $0x1;
	s10 =	sld [smem:$0x3FB1];
	_ =	sdelay $0x3  }
0x34: {  	[smem:$0x3FB1] =	sst s10  }
0x35: {  	s10 =	sld [smem:$0x3FB0];
	_ =	sdelay $0x3  }
0x36: {  	p1 =	seq.s32 s10, $0x1;
	s10 =	sld [smem:$0x3FB1];
	_ =	sdelay $0x3  }
0x37: {  	[smem:$0x3FB1] =	sst s10  }
0x38: {  	s10 =	sld [smem:$0x3FB2]  }
0x39: {  	_ = 	snop;
	(pc) =	sbr.ind lr, $3  }
0x3a: {  	_ = 	snop  }
0x3b: {  	_ = 	snop  }
0x3c: {  	p2 =	seq.s32 s10, $0x1;
	s10 =	sld [smem:$0x3FB1]  }
0x3d: {  	_ =	shalt  }
0x3e: {  	_ =	shalt  }
0x3f: {  	_ =	shalt  }
0x40: {  	_ =	shalt  }
0x41: {  	_ =	shalt  }
0x42: {  	_ =	shalt  }
0x43: {  	_ =	shalt  }
0x44: {  	_ =	shalt  }
0x45: {  	_ =	shalt  }
0x46: {  	_ =	shalt  }
0x47: {  	_ =	shalt  }
0x48: {  	_ =	shalt  }
0x49: {  	_ =	shalt  }
0x4a: {  	_ =	shalt  }
0x4b: {  	_ =	shalt  }
0x4c: {  	_ =	shalt  }
0x4d: {  	_ =	shalt  }
0x4e: {  	_ =	shalt  }
0x4f: {  	_ =	shalt  }
0x50: {  	_ =	shalt  }
0x51: {  	_ =	shalt  }
0x52: {  	_ =	shalt  }
0x53: {  	_ =	shalt  }
0x54: {  	_ =	shalt  }
0x55: {  	_ =	shalt  }
0x56: {  	_ =	shalt  }
0x57: {  	_ =	shalt  }
0x58: {  	_ =	shalt  }
0x59: {  	_ =	shalt  }
0x5a: {  	_ =	shalt  }
0x5b: {  	_ =	shalt  }
0x5c: {  	_ =	shalt  }
0x5d: {  	_ =	shalt  }
0x5e: {  	_ =	shalt  }
0x5f: {  	_ =	shalt  }
0x60: {  	_ =	shalt  }
0x61: {  	_ =	shalt  }
0x62: {  	_ =	shalt  }
0x63: {  	_ =	shalt  }
0x64: {  	_ =	shalt  }
0x65: {  	_ =	shalt  }
0x66: {  	_ =	shalt  }
0x67: {  	_ =	shalt  }
0x68: {  	_ =	shalt  }
0x69: {  	_ =	shalt  }
0x6a: {  	_ =	shalt  }
0x6b: {  	_ =	shalt  }
0x6c: {  	_ =	shalt  }
0x6d: {  	_ =	shalt  }
0x6e: {  	_ =	shalt  }
0x6f: {  	_ =	shalt  }
0x70: {  	_ =	shalt  }
0x71: {  	_ =	shalt  }
0x72: {  	_ =	shalt  }
0x73: {  	_ =	shalt  }
0x74: {  	_ =	shalt  }
0x75: {  	_ =	shalt  }
0x76: {  	_ =	shalt  }
0x77: {  	_ =	shalt  }
0x78: {  	_ =	shalt  }
0x79: {  	_ =	shalt  }
0x7a: {  	_ =	shalt  }
0x7b: {  	_ =	shalt  }
0x7c: {  	_ =	shalt  }
0x7d: {  	_ =	shalt  }
0x7e: {  	_ =	shalt  }
0x7f: {  	_ =	shalt  }
0x80: {  	_ =	shalt  }
0x81: {  	_ =	shalt  }
0x82: {  	_ =	shalt  }
0x83: {  	_ =	shalt  }
0x84: {  	_ =	shalt  }
0x85: {  	_ =	shalt  }
0x86: {  	_ =	shalt  }
0x87: {  	_ =	shalt  }
.Lfunc_end0:
.L_simem_size_0:
called_computation.1_lowered:
.L_overlay_start_0:
0x88: {  	s2 =	sld [smem:$0x3FD9]  }
0x89: {  	s3 =	sld [smem:$0x3FFE];
	_ =	sdelay $0x1  }
0x8a: {  	s1 =	srdreg.scid  }
0x8b: {  	s0 =	sand.u32 $0x1, s1  }
0x8c: {  	s16 =	sshll.u32 s0, $0xA;
	s2 =	sadd.s32 s3, s2  }
0x8d: {  	s2 =	sadd.s32 s2, s16  }
0x8e: {  	[smem:$0x3FBD] =	sst s2  }
0x8f: {  	_ = 	snop  }
0x90: {  	(tm) =	ssettm $0x1  }
0x91: {  	s17 =	sld [smem:$0x3FFB];
	_ =	sdelay $0x3  }
0x92: {  	_ =	strace s17  }
0x93: {  	s2 =	sld [smem:$0x3FFC];
	_ =	sdelay $0x3  }
0x94: {  	_ =	strace s2  }
0x95: {  	s2 =	sld [smem:$0x3FFD];
	_ =	sdelay $0x3  }
0x96: {  	_ =	strace s2  }
0x97: {  	_ =	strace $0x8FFFFFFF  }
0x98: {  	s18 =	sld [smem:$0x3FDB];
	_ =	sdelay $0x1  }
0x99: {  	s19 =	simm.s32 $_scs_section_size  }
0x9a: {  	s4 =	simm.s32 $_size__tile_overlayer_lowered;
	s5 =	simm.s32 $_tile_overlayer_lowered  }
0x9b: {  	s22 =	simm.s32 $0x1BFF;
	s21 =	sshll.u32 s5, $0x1;
	s2 =	sadd.s32 s19, s18  }
0x9c: {  	s6 =	simm.s32 $0x0;
	s20 =	sshll.u32 s4, $0x1;
	s4 =	sadd.s32 s21, s2  }
0x9d: {  	[timem:s6], [sflag:s22] =	dma.local [hbm:s4], s20  }
0x9e: {  	_ =	swait.ge [sflag:s22], s20  }
0x9f: {  	s3 =	ssub.s32 $0x0, s20;
	[sflag:s22] =	ssyncset.done $0x0  }
0xa0: {  	[sflag:s22] =	ssyncadd.s32 s3;
	_ =	sdelay $0x1  }
0xa1: {  	s23 =	simm.s32 $0x1B8B  }
0xa2: {  	_ =	swait.ge [sflag:s23], $0x1  }
0xa3: {  	[sflag:s23] =	ssyncset.done $0x0  }
0xa4: {  	s25 =	simm.s32 $0x1B8E;
	s24 =	sld [smem:$0x3FFE];
	[sflag:s23] =	ssyncadd.s32 $0xFFFFFFFF  }
0xa5: {  	s26 =	simm.s32 $execute0_lowered;
	[smem:$0x3FD2] =	sst s25  }
0xa6: {  	s4 =	sshll.u32 s26, $0x1;
	_ =	strace $0x80000049;
	[dreg:$0x1] =	wrdreg $0xFFFFFFFF  }
0xa7: {  	s28 =	simm.s32 $_size_execute0_lowered;
	s2 =	sadd.s32 s2, s4;
	[dreg:$0x0] =	wrdreg $0x0  }
0xa8: {  	s4 =	sshll.u32 s28, $0x1;
	[dreg:$0x2] =	wrdreg s2  }
0xa9: {  	[dreg:$0x3] =	wrdreg s4  }
0xaa: {  	[dreg:$0x4] =	wrdreg $0xC0  }
0xab: {  	_ =	task [dreg:s6], $0x5FFFF  }
0xac: {  	[dreg:$0x1] =	wrdreg $0xFFFFFFFF  }
0xad: {  	[dreg:$0x0] =	wrdreg $0x60  }
0xae: {  	[dreg:$0x2] =	wrdreg s24  }
0xaf: {  	[dreg:$0x3] =	wrdreg $0xA8000  }
0xb0: {  	[dreg:$0x4] =	wrdreg $0x9  }
0xb1: {  	_ =	task.clear_ibuf [dreg:s6], $0x5FFFF;
	_ =	strace $0x90000049  }
0xb2: {  	s29 =	simm.s32 $0x9;
	_ =	strace $0x8000004B  }
0xb3: {  	_ =	swait.ge [sflag:s29], $0x1  }
0xb4: {  	[sflag:s29] =	ssyncadd.s32 $0xFFFFFFFF  }
0xb5: {  	_ =	strace $0x9000004B  }
0xb6: {  	_ =	sfence  }
0xb7: {  	s30 =	sld [smem:$0x0];
	_ =	sdelay $0x2  }
0xb8: {  	s31 =	sshll.u32 s1, $0xD;
	s1 =	sshrl.u32 s1, $0x2  }
0xb9: {  	s3 =	sand.u32 $0x4000, s31;
	s1 =	sadd.s32 s1, s30  }
0xba: {  	s0 =	sor.u32 s3, s0;
	s1 =	sshll.u32 s1, $0x11  }
0xbb: {  	s0 =	sor.u32 s1, s0  }
0xbc: {  	s0 =	sadd.s32 $0x8F2B, s0  }
0xbd: {  	[sflag:s0] =	ssyncadd.remote.s32 $0x1  }
0xbe: {  	_ =	sfence.sel $0xFFFF  }
0xbf: {  	[dreg:$0x0] =	wrdreg $0xFFFFFFFF;
	(pc) =	sbr.abs _section_cstart, $3  }
0xc0: {  	[dreg:$0x1] =	wrdreg $0xFFFFFFFF  }
0xc1: {  	_ =	task.clear_ibuf [dreg:s6], $0x2FFFF;
	_ =	strace $0x9FFFFFFF  }
0xc2: {  	(tm) =	ssettm $0x7FFFFFFF  }
0xc3: {  	_ =	shalt  }
tec
execute0_lowered:
.L_overlay_start_1:
0x0: {  	(tag) =	ssettag $0x1  }
0x1: {  	s5 =	rddreg [dreg:$0x0]  }
0x2: {  	s1 =	rddreg [dreg:$0x1]  }
0x3: {  	s2 =	srdreg.scid;
	s0 =	rddreg [dreg:$0x2]  }
0x4: {  	s3 =	simm.s32 $0x0;
	s9 =	sand.u32 $0x1, s2;
	s2 =	stileid.u32  }
0x5: {  	[smem:$0x7FF] =	sst s3;
	s8 =	smul.u32 $0x4E000, s2  }
0x6: {  	s11 =	sadd.s32 $0x73A00, s5;
	s4 =	sshll.u32 s9, $0x4;
	s13 =	smul.u32 $0x138800, s9  }
0x7: {  	_ =	strace $0x8000004A;
	s7 =	ssub.s32 $0x2, s9;
	s14 =	smul.u32 $0x13800, s2  }
0x8: {  	p0 =	seq.s32 s9, $0x0;
	s9 =	simm.s32 $0x40;
	s4 =	sor.u32 s2, s4  }
0x9: {  	s29 =	sshrl.u32 s7, $0x1;
	s9 =	simm.s32 @!p0 $0x5D;
	p0 =	sne.s32 s2, $0xF  }
0xa: {  	s6 =	smul.u32 $0x600, s4;
	s4 =	sadd.s32 $0x3800, s5;
	s12 =	ssub.s32 s7, s29  }
0xb: {  	s30 =	sshrl.u32 s8, $0x2;
	s31 =	sadd.s32 s14, s13;
	s13 =	sshrl.u32 s13, $0x3  }
0xc: {  	s14 =	simm.s32 $0x2;
	s13 =	sadd.s32 s11, s13;
	s12 =	smax.u32 s12, $0x1  }
0xd: {  	s10 =	sadd.s32 s6, s5;
	s5 =	sadd.s32 s30, s1;
	s6 =	sadd.s32 $0x138000, s1  }
0xe: {  	s7 =	sadd.s32 $0x5BA00, s10;
	s8 =	sadd.s32 $0x67A00, s10;
	s10 =	sshrl.u32 s31, $0x3  }
0xf: {  	v0 =	vimm.f32 $0.0e+00;
	s10 =	sadd.s32 s11, s10;
	s11 =	sadd.s32 $0x27000, s13;
	s13 =	simm.s32 $0xA000  }
.LBB2_1:
0x10: {  	s15 =	simm.s32 $0x0;
	s16 =	simm.s32 $0x200  }
.LBB2_2:
0x11: {  	p1 =	sne.s32 s16, $0x1E00;
	[tilespmem:s15+$0xA070] =	vst v0  }
0x12: {  	[tilespmem:s15+$0xA000] =	vst v0  }
0x13: {  	[tilespmem:s15+$0xA010] =	vst v0  }
.Ltmp0:
0x14: {  	[tilespmem:s15+$0xA020] =	vst v0;
	(pc) =	sbr.rel @p1 .LBB2_2-.Ltmp0, $4  }
0x15: {  	[tilespmem:s15+$0xA030] =	vst v0  }
0x16: {  	[tilespmem:s15+$0xA040] =	vst v0  }
0x17: {  	[tilespmem:s15+$0xA050] =	vst v0  }
0x18: {  	[tilespmem:s15+$0xA060] =	vst v0;
	s15 =	sshra.s32 s16, $0x2;
	s16 =	sadd.s32 $0x200, s16  }
0x19: {  	[tilespmem:s15+$0xA070] =	vst v0  }
0x1a: {  	[tilespmem:s15+$0xA000] =	vst v0  }
0x1b: {  	[tilespmem:s15+$0xA010] =	vst v0  }
0x1c: {  	[tilespmem:s15+$0xA020] =	vst v0  }
0x1d: {  	[tilespmem:s15+$0xA030] =	vst v0  }
0x1e: {  	[tilespmem:s15+$0xA040] =	vst v0  }
0x1f: {  	[tilespmem:s15+$0xA050] =	vst v0  }
0x20: {  	[tilespmem:s15+$0xA060] =	vst v0;
	s31 =	sadd.s32 $0x0, s5  }
0x21: {  	[spmem:s31] =	stream.linear.scatter [tilespmem:s13], [sflag:$0x2], $0x800, $0x38;
	[tilespmem:$0x1E0C0] =	vst v63  }
0x22: {  	s15 =	simm.s32 $0x2000;
	_ =	swait.ge [sflag:s14], $0x800  }
.LBB2_4:
0x23: {  	s16 =	sshra.s32 s15, $0x2;
	[sflag:s14] =	ssyncset.done $0x0;
	p1 =	sne.s32 s15, $0x4C000  }
.Ltmp1:
0x24: {  	s16 =	sadd.s32 s16, s5;
	[sflag:s14] =	ssyncadd.s32 $0xFFFFF800;
	(pc) =	sbr.rel @p1 .LBB2_4-.Ltmp1, $3  }
0x25: {  	[spmem:s16] =	stream.linear.scatter [tilespmem:s13], [sflag:$0x2], $0x800, $0x38;
	[tilespmem:$0x1E0C0] =	vst v63  }
0x26: {  	s15 =	sadd.s32 $0x2000, s15;
	_ =	sdelay $0x1  }
0x27: {  	_ =	swait.ge [sflag:s14], $0x800  }
0x28: {  	[sflag:s14] =	ssyncset.done $0x0  }
0x29: {  	s15 =	simm.s32 @!p0 $0xA000;
	[sflag:s14] =	ssyncadd.s32 $0xFFFFF800  }
0x2a: {  	[spmem:s6] =	stream.linear.scatter @!p0 [tilespmem:s15], [sflag:$0x2], $0x800, $0x38;
	[tilespmem:$0x1E0C0] =	vst v63  }
0x2b: {  	s15 =	simm.s32 @!p0 $0x2  }
0x2c: {  	_ =	swait.ge @!p0 [sflag:s15], $0x800  }
0x2d: {  	[sflag:s15] =	ssyncset.done @!p0 $0x0  }
0x2e: {  	[sflag:s15] =	ssyncadd.s32 @!p0 $0xFFFFF800  }
0x2f: {  	s15 =	simm.s32 $0x0;
	[bflag:$0x0] =	sbarrier.arrive $0xFFFF  }
0x30: {  	[tilespmem:s15], [sflag:$0x2] =	stream.linear.gather [hbm4b:s7+s15], $0x2E80, $0x38;
	[tilespmem:$0x1E0C0] =	vst v63  }
0x31: {  	_ =	swait.ge [sflag:s14], $0x2E80  }
0x32: {  	[sflag:s14] =	ssyncset.done $0x0  }
0x33: {  	s16 =	simm.s32 $0x3000;
	[sflag:s14] =	ssyncadd.s32 $0xFFFFD180  }
0x34: {  	[tilespmem:s16], [sflag:$0x2] =	stream.linear.gather [hbm4b:s8+s15], $0x2E80, $0x38;
	[tilespmem:$0x1E0C0] =	vst v63  }
0x35: {  	p1 =	sle.u32 s9, $0x0;
	_ =	swait.ge [sflag:s14], $0x2E80  }
0x36: {  	s17 =	simm.s32 @!p1 $0x80;
	[sflag:s14] =	ssyncset.done $0x0  }
0x37: {  	s18 =	simm.s32 @!p1 $0x6000;
	s19 =	simm.s32 @!p1 $0x1;
	[sflag:s14] =	ssyncadd.s32 $0xFFFFD180  }
0x38: {  	[tilespmem:s18], [sflag:$0x1] =	stream.indirect.gather @!p1 [hbm4b:s4+s17], $0x80, s15, s17, $0xb8;
	[tilespmem:$0x1E0C0] =	vst v63  }
0x39: {  	_ =	swait.ge @!p1 [sflag:s19], $0x4000  }
0x3a: {  	[sflag:s19] =	ssyncset.done @!p1 $0x0;
	p1 =	por p1, p1  }
0x3b: {  	[sflag:s19] =	ssyncadd.s32 @!p1 $0xFFFFC000  }
0x3c: {  	[spmem:s1] =	stream.indirect.scatter.add.f32 @!p1 [tilespmem:s18], [sflag:$0x2], $0x80, s16, s17, $0xb8;
	[tilespmem:$0x1E0C0] =	vst v63  }
0x3d: {  	p2 =	sle.u32 s9, $0x1;
	s15 =	simm.s32 $0x3080;
	s18 =	simm.s32 @!p1 $0x2  }
0x3e: {  	s17 =	simm.s32 $0x2;
	s16 =	simm.s32 $0x80;
	_ =	swait.ge @!p1 [sflag:s18], $0x4000  }
.LBB2_6:
0x3f: {  	s19 =	simm.s32 @!p2 $0x80;
	s20 =	simm.s32 @!p2 $0x6000;
	[sflag:s18] =	ssyncset.done @!p1 $0x0  }
0x40: {  	s21 =	smov.u32 s17;
	s22 =	smov.u32 s15;
	s17 =	sadd.s32 $0x1, s17  }
0x41: {  	s23 =	simm.s32 @!p2 $0x1;
	[sflag:s18] =	ssyncadd.s32 @!p1 $0xFFFFC000;
	p3 =	sne.s32 s17, $0x5D  }
0x42: {  	[tilespmem:s20], [sflag:$0x1] =	stream.indirect.gather @!p2 [hbm4b:s4+s19], $0x80, s16, s19, $0xb8;
	[tilespmem:$0x1E0C0] =	vst v63  }
.Ltmp2:
0x43: {  	_ =	swait.ge @!p2 [sflag:s23], $0x4000;
	(pc) =	sbr.rel @p3 .LBB2_6-.Ltmp2, $4  }
0x44: {  	p1 =	por p2, p2;
	[sflag:s23] =	ssyncset.done @!p2 $0x0  }
0x45: {  	s15 =	sadd.s32 $0x80, s15;
	s18 =	simm.s32 @!p1 $0x2;
	[sflag:s23] =	ssyncadd.s32 @!p1 $0xFFFFC000  }
0x46: {  	[spmem:s1] =	stream.indirect.scatter.add.f32 @!p1 [tilespmem:s20], [sflag:$0x2], $0x80, s22, s19, $0xb8;
	[tilespmem:$0x1E0C0] =	vst v63  }
0x47: {  	s16 =	sadd.s32 $0x80, s16;
	p2 =	sge.u32 s21, s9;
	_ =	swait.ge @!p1 [sflag:s18], $0x4000  }
0x48: {  	s17 =	simm.s32 @!p2 $0x80;
	[sflag:s18] =	ssyncset.done @!p1 $0x0  }
0x49: {  	s19 =	simm.s32 @!p2 $0x6000;
	s20 =	simm.s32 @!p2 $0x1;
	[sflag:s18] =	ssyncadd.s32 @!p1 $0xFFFFC000  }
0x4a: {  	[tilespmem:s19], [sflag:$0x1] =	stream.indirect.gather @!p2 [hbm4b:s4+s17], $0x80, s16, s17, $0xb8;
	[tilespmem:$0x1E0C0] =	vst v63  }
0x4b: {  	_ =	swait.ge @!p2 [sflag:s20], $0x4000  }
0x4c: {  	p1 =	por p2, p2;
	[sflag:s20] =	ssyncset.done @!p2 $0x0  }
0x4d: {  	s16 =	simm.s32 @!p1 $0x2;
	[sflag:s20] =	ssyncadd.s32 @!p1 $0xFFFFC000  }
0x4e: {  	[spmem:s1] =	stream.indirect.scatter.add.f32 @!p1 [tilespmem:s19], [sflag:$0x2], $0x80, s15, s17, $0xb8;
	[tilespmem:$0x1E0C0] =	vst v63  }
0x4f: {  	_ =	swait.ge @!p1 [sflag:s16], $0x4000  }
0x50: {  	[sflag:s16] =	ssyncset.done @!p1 $0x0  }
0x51: {  	s30 =	sshll.u32 s2, $0x6;
	[sflag:s16] =	ssyncadd.s32 @!p1 $0xFFFFC000  }
0x52: {  	s31 =	sshrl.u32 s5, $0x3;
	s15 =	sor.u32 $0x1C02, s30;
	[bflag:$0x0] =	sbarrier.arrive $0xFFFF  }
0x53: {  	[hbm:s10], [sflag:s15] =	dma.local [spmem:s31], $0x2700  }
0x54: {  	_ =	swait.ge [sflag:s14], $0x2700  }
0x55: {  	s3 =	sadd.s32 $0x1, s3;
	[sflag:s14] =	ssyncset.done $0x0  }
0x56: {  	s16 =	sshrl.u32 @!p0 s6, $0x3;
	p1 =	sne.s32 s3, s12;
	[sflag:s14] =	ssyncadd.s32 $0xFFFFD900  }
0x57: {  	[hbm:s11], [sflag:s15] =	dma.local @!p0 [spmem:s16], $0x100  }
.Ltmp3:
0x58: {  	_ = 	snop;
	(pc) =	sbr.rel @p1 .LBB2_1-.Ltmp3, $4  }
0x59: {  	s15 =	simm.s32 @!p0 $0x2  }
0x5a: {  	_ =	swait.ge @!p0 [sflag:s15], $0x100  }
0x5b: {  	[sflag:s15] =	ssyncset.done @!p0 $0x0  }
0x5c: {  	[sflag:s15] =	ssyncadd.s32 @!p0 $0xFFFFFF00  }
0x5d: {  	_ =	sfence.sel $0x180000  }
0x5e: {  	[bflag:$0x0] =	sbarrier.arrive $0xFFFF  }
0x5f: {  	p0 =	sne.s32 s2, $0x0;
	_ =	strace $0x9000004A  }
0x60: {  	s0 =	sadd.s32 @!p0 $0x100000, s0;
	[bflag:$0x2] =	sbarrier.arrive $0xFFFF  }
0x61: {  	[sflag:s0] =	ssyncadd.tile.s32 @!p0 $0x1;
	_ =	shalt  }
.Lfunc_end2:
_tile_overlayer_lowered:
.L_overlay_start_2:
0x62: {  	(tag) =	ssettag $0x2  }
0x63: {  	s0 =	rddreg [dreg:$0x0];
	s2 =	stileid.u32  }
0x64: {  	s1 =	rddreg [dreg:$0x1];
	p0 =	sne.s32 s2, $0x0  }
0x65: {  	s3 =	rddreg [dreg:$0x2];
	[bflag:$0x3] =	sbarrier.arrive $0xFFFF;
	s2 =	simm.s32 @!p0 $0x1C02  }
0x66: {  	[timem:s3], [sflag:s2] =	dma.local @!p0 [hbm:s0], s1  }
0x67: {  	s0 =	simm.s32 @!p0 $0x2  }
0x68: {  	_ =	swait.ge @!p0 [sflag:s0], s1  }
0x69: {  	s1 =	ssub.s32 @!p0 $0x0, s1;
	[sflag:s0] =	ssyncset.done @!p0 $0x0  }
0x6a: {  	[sflag:s0] =	ssyncadd.s32 @!p0 s1  }
0x6b: {  	[bflag:$0x3] =	sbarrier.arrive $0xFFFF  }
0x6c: {  	_ =	shalt  }

// kernel: kernel.17.cloned.1.call-start
scs
__scs_entry_jumppad:
0x0: {  	(pc) =	sbr.rel $0x88, $3  }
0x1: {  	(tag) =	ssettag $0x0;
	lr =	simm.s32 $0x1  }
0x2: {  	[smem:$0x3F96] =	sst lr;
	_ =	strace $0xD0000000  }
0x3: {  	_ = 	snop  }
0x4: {  	_ = 	snop  }
0x5: {  	_ = 	snop  }
0x6: {  	_ = 	snop  }
0x7: {  	_ = 	snop  }
__scs_overlays_trampoline_lowered:
0x8: {  	[smem:$0x3FA5] =	sst s0  }
0x9: {  	[smem:$0x3FA6] =	sst s1  }
0xa: {  	[smem:$0x3FA7] =	sst s2  }
0xb: {  	[smem:$0x3FA8] =	sst s3  }
0xc: {  	[smem:$0x3FA9] =	sst s4  }
0xd: {  	[smem:$0x3FAA] =	sst s5  }
0xe: {  	[smem:$0x3FAB] =	sst s6  }
0xf: {  	[smem:$0x3FAC] =	sst s7  }
0x10: {  	[smem:$0x3FAD] =	sst s8  }
0x11: {  	[smem:$0x3FAE] =	sst s9;
	s0 =	simm.s32 @!p0 $0x0  }
0x12: {  	s1 =	sld [smem:$0x3F94];
	s0 =	simm.s32 @p0 $0x1  }
0x13: {  	[smem:$0x3FAF] =	sst s0;
	s0 =	simm.s32 @!p1 $0x0  }
0x14: {  	s2 =	sld [smem:$0x3F93];
	s0 =	simm.s32 @p1 $0x1  }
0x15: {  	[smem:$0x3FB0] =	sst s0;
	s0 =	simm.s32 @!p2 $0x0  }
0x16: {  	s3 =	sld [smem:$0x3FDB];
	s0 =	simm.s32 @p2 $0x1  }
0x17: {  	s4 =	simm.s32 $0x1BF5;
	[smem:$0x3FB2] =	sst s0  }
0x18: {  	s0 =	sld [smem:$0x3F95];
	_ =	swait.ge [sflag:s4], $0x0  }
0x19: {  	s7 =	sld [smem:$0x3F96]  }
0x1a: {  	s8 =	sadd.s32 $0xFFFFE003, lr  }
0x1b: {  	s9 =	sadd.s32 $0xFFFFFEF7, lr;
	s5 =	simm.s32 $0xFFFFFFFF;
	p2 =	slt.u32 s8, $0xFFFFF086  }
0x1c: {  	p1 =	slt.u32 s9, $0xF7A;
	s5 =	simm.s32 @!p2 $0x0  }
0x1d: {  	s5 =	simm.s32 @p1 $0x1;
	p0 =	seq.s32 s7, s2  }
0x1e: {  	s7 =	smul.u32 @!p0 $0xF7A, s2;
	p2 =	seq.s32 @!p0 s5, $0x0  }
0x1f: {  	s9 =	smul.u32 $0xF7A, s1;
	s8 =	simm.s32 @!p0 $0x1BF5;
	p2 =	por !p2, p0  }
0x20: {  	[sflag:s8] =	ssyncset.s32 @!p0 $0xFFFFF086;
	s6 =	sadd.s32 @!p0 s3, s7;
	s7 =	simm.s32 @!p0 $0x108  }
0x21: {  	s3 =	sadd.s32 s3, s9;
	s6 =	sadd.s32 @!p0 $0x88, s6;
	s7 =	simm.s32 @p2 $0x1082  }
0x22: {  	[simem:s7], [sflag:s8] =	dma.local @!p0 [hbm:s6], $0xF7A  }
0x23: {  	s9 =	sor.u32 $0xD0000000, s2;
	s6 =	simm.s32 $0x108;
	_ =	swait.ge @!p0 [sflag:s8], $0x0  }
0x24: {  	s3 =	sadd.s32 $0x88, s3;
	s6 =	simm.s32 @!p1 $0x1082;
	[sflag:s4] =	ssyncset.s32 $0xFFFFF086  }
0x25: {  	[simem:s6], [sflag:s4] =	dma.local [hbm:s3], $0xF7A  }
0x26: {  	[smem:$0x3F96] =	sst s1;
	(tag) =	ssettag s2;
	_ =	strace s9  }
0x27: {  	s1 =	sld [smem:$0x3FA6]  }
0x28: {  	s2 =	sld [smem:$0x3FA7]  }
0x29: {  	s4 =	sld [smem:$0x3FA9]  }
0x2a: {  	p0 =	seq.s32 s5, $0x0;
	s5 =	sld [smem:$0x3FAA]  }
0x2b: {  	s6 =	sld [smem:$0x3FAB]  }
0x2c: {  	s7 =	sld [smem:$0x3FAC]  }
0x2d: {  	s3 =	simm.s32 $0x108;
	s8 =	sld [smem:$0x3FAD]  }
0x2e: {  	s3 =	simm.s32 @!p0 $0x1082;
	s9 =	sld [smem:$0x3FAE]  }
0x2f: {  	lr =	sadd.s32 s0, s3;
	s0 =	sld [smem:$0x3FA5]  }
0x30: {  	s3 =	sld [smem:$0x3FA8]  }
0x31: {  	[smem:$0x3FB1] =	sst s10  }
0x32: {  	s10 =	sld [smem:$0x3FAF];
	_ =	sdelay $0x3  }
0x33: {  	p0 =	seq.s32 s10, $0x1;
	s10 =	sld [smem:$0x3FB1];
	_ =	sdelay $0x3  }
0x34: {  	[smem:$0x3FB1] =	sst s10  }
0x35: {  	s10 =	sld [smem:$0x3FB0];
	_ =	sdelay $0x3  }
0x36: {  	p1 =	seq.s32 s10, $0x1;
	s10 =	sld [smem:$0x3FB1];
	_ =	sdelay $0x3  }
0x37: {  	[smem:$0x3FB1] =	sst s10  }
0x38: {  	s10 =	sld [smem:$0x3FB2]  }
0x39: {  	_ = 	snop;
	(pc) =	sbr.ind lr, $3  }
0x3a: {  	_ = 	snop  }
0x3b: {  	_ = 	snop  }
0x3c: {  	p2 =	seq.s32 s10, $0x1;
	s10 =	sld [smem:$0x3FB1]  }
0x3d: {  	_ =	shalt  }
0x3e: {  	_ =	shalt  }
0x3f: {  	_ =	shalt  }
0x40: {  	_ =	shalt  }
0x41: {  	_ =	shalt  }
0x42: {  	_ =	shalt  }
0x43: {  	_ =	shalt  }
0x44: {  	_ =	shalt  }
0x45: {  	_ =	shalt  }
0x46: {  	_ =	shalt  }
0x47: {  	_ =	shalt  }
0x48: {  	_ =	shalt  }
0x49: {  	_ =	shalt  }
0x4a: {  	_ =	shalt  }
0x4b: {  	_ =	shalt  }
0x4c: {  	_ =	shalt  }
0x4d: {  	_ =	shalt  }
0x4e: {  	_ =	shalt  }
0x4f: {  	_ =	shalt  }
0x50: {  	_ =	shalt  }
0x51: {  	_ =	shalt  }
0x52: {  	_ =	shalt  }
0x53: {  	_ =	shalt  }
0x54: {  	_ =	shalt  }
0x55: {  	_ =	shalt  }
0x56: {  	_ =	shalt  }
0x57: {  	_ =	shalt  }
0x58: {  	_ =	shalt  }
0x59: {  	_ =	shalt  }
0x5a: {  	_ =	shalt  }
0x5b: {  	_ =	shalt  }
0x5c: {  	_ =	shalt  }
0x5d: {  	_ =	shalt  }
0x5e: {  	_ =	shalt  }
0x5f: {  	_ =	shalt  }
0x60: {  	_ =	shalt  }
0x61: {  	_ =	shalt  }
0x62: {  	_ =	shalt  }
0x63: {  	_ =	shalt  }
0x64: {  	_ =	shalt  }
0x65: {  	_ =	shalt  }
0x66: {  	_ =	shalt  }
0x67: {  	_ =	shalt  }
0x68: {  	_ =	shalt  }
0x69: {  	_ =	shalt  }
0x6a: {  	_ =	shalt  }
0x6b: {  	_ =	shalt  }
0x6c: {  	_ =	shalt  }
0x6d: {  	_ =	shalt  }
0x6e: {  	_ =	shalt  }
0x6f: {  	_ =	shalt  }
0x70: {  	_ =	shalt  }
0x71: {  	_ =	shalt  }
0x72: {  	_ =	shalt  }
0x73: {  	_ =	shalt  }
0x74: {  	_ =	shalt  }
0x75: {  	_ =	shalt  }
0x76: {  	_ =	shalt  }
0x77: {  	_ =	shalt  }
0x78: {  	_ =	shalt  }
0x79: {  	_ =	shalt  }
0x7a: {  	_ =	shalt  }
0x7b: {  	_ =	shalt  }
0x7c: {  	_ =	shalt  }
0x7d: {  	_ =	shalt  }
0x7e: {  	_ =	shalt  }
0x7f: {  	_ =	shalt  }
0x80: {  	_ =	shalt  }
0x81: {  	_ =	shalt  }
0x82: {  	_ =	shalt  }
0x83: {  	_ =	shalt  }
0x84: {  	_ =	shalt  }
0x85: {  	_ =	shalt  }
0x86: {  	_ =	shalt  }
0x87: {  	_ =	shalt  }
.Lfunc_end0:
.L_simem_size_0:
called_computation.2_lowered:
.L_overlay_start_0:
0x88: {  	s2 =	sld [smem:$0x3FD9]  }
0x89: {  	s3 =	sld [smem:$0x3FFE];
	_ =	sdelay $0x1  }
0x8a: {  	s1 =	srdreg.scid  }
0x8b: {  	s0 =	sand.u32 $0x1, s1  }
0x8c: {  	s16 =	sshll.u32 s0, $0xA;
	s2 =	sadd.s32 s3, s2  }
0x8d: {  	s2 =	sadd.s32 s2, s16  }
0x8e: {  	[smem:$0x3FBD] =	sst s2  }
0x8f: {  	_ = 	snop  }
0x90: {  	(tm) =	ssettm $0x1  }
0x91: {  	s17 =	sld [smem:$0x3FFB];
	_ =	sdelay $0x3  }
0x92: {  	_ =	strace s17  }
0x93: {  	s2 =	sld [smem:$0x3FFC];
	_ =	sdelay $0x3  }
0x94: {  	_ =	strace s2  }
0x95: {  	s2 =	sld [smem:$0x3FFD];
	_ =	sdelay $0x3  }
0x96: {  	_ =	strace s2  }
0x97: {  	_ =	strace $0x8FFFFFFF  }
0x98: {  	s18 =	sld [smem:$0x3FDB];
	_ =	sdelay $0x1  }
0x99: {  	s19 =	simm.s32 $_scs_section_size  }
0x9a: {  	s4 =	simm.s32 $_size__tile_overlayer_lowered;
	s5 =	simm.s32 $_tile_overlayer_lowered  }
0x9b: {  	s22 =	simm.s32 $0x1BFF;
	s21 =	sshll.u32 s5, $0x1;
	s2 =	sadd.s32 s19, s18  }
0x9c: {  	s6 =	simm.s32 $0x0;
	s20 =	sshll.u32 s4, $0x1;
	s4 =	sadd.s32 s21, s2  }
0x9d: {  	[timem:s6], [sflag:s22] =	dma.local [hbm:s4], s20  }
0x9e: {  	_ =	swait.ge [sflag:s22], s20  }
0x9f: {  	s3 =	ssub.s32 $0x0, s20;
	[sflag:s22] =	ssyncset.done $0x0  }
0xa0: {  	[sflag:s22] =	ssyncadd.s32 s3;
	_ =	sdelay $0x1  }
0xa1: {  	s23 =	simm.s32 $0x1B8B  }
0xa2: {  	_ =	swait.ge [sflag:s23], $0x1  }
0xa3: {  	[sflag:s23] =	ssyncset.done $0x0  }
0xa4: {  	s25 =	simm.s32 $0x1B8E;
	s24 =	sld [smem:$0x3FFE];
	[sflag:s23] =	ssyncadd.s32 $0xFFFFFFFF  }
0xa5: {  	s26 =	simm.s32 $execute0_lowered;
	[smem:$0x3FD2] =	sst s25  }
0xa6: {  	s4 =	sshll.u32 s26, $0x1;
	_ =	strace $0x8000004C;
	[dreg:$0x1] =	wrdreg $0xFFFFFFFF  }
0xa7: {  	s28 =	simm.s32 $_size_execute0_lowered;
	s2 =	sadd.s32 s2, s4;
	[dreg:$0x0] =	wrdreg $0x0  }
0xa8: {  	s4 =	sshll.u32 s28, $0x1;
	[dreg:$0x2] =	wrdreg s2  }
0xa9: {  	[dreg:$0x3] =	wrdreg s4  }
0xaa: {  	[dreg:$0x4] =	wrdreg $0xC0  }
0xab: {  	_ =	task [dreg:s6], $0x5FFFF  }
0xac: {  	[dreg:$0x1] =	wrdreg $0xFFFFFFFF  }
0xad: {  	[dreg:$0x0] =	wrdreg $0x60  }
0xae: {  	[dreg:$0x2] =	wrdreg s24  }
0xaf: {  	[dreg:$0x3] =	wrdreg $0xA8000  }
0xb0: {  	[dreg:$0x4] =	wrdreg $0x9  }
0xb1: {  	_ =	task.clear_ibuf [dreg:s6], $0x5FFFF;
	_ =	strace $0x9000004C  }
0xb2: {  	s29 =	simm.s32 $0x9;
	_ =	strace $0x8000004E  }
0xb3: {  	_ =	swait.ge [sflag:s29], $0x1  }
0xb4: {  	[sflag:s29] =	ssyncadd.s32 $0xFFFFFFFF  }
0xb5: {  	_ =	strace $0x9000004E  }
0xb6: {  	_ =	sfence  }
0xb7: {  	s30 =	sld [smem:$0x0];
	_ =	sdelay $0x2  }
0xb8: {  	s31 =	sshll.u32 s1, $0xD;
	s1 =	sshrl.u32 s1, $0x2  }
0xb9: {  	s3 =	sand.u32 $0x4000, s31;
	s1 =	sadd.s32 s1, s30  }
0xba: {  	s0 =	sor.u32 s3, s0;
	s1 =	sshll.u32 s1, $0x11  }
0xbb: {  	s0 =	sor.u32 s1, s0  }
0xbc: {  	s0 =	sadd.s32 $0x8F2B, s0  }
0xbd: {  	[sflag:s0] =	ssyncadd.remote.s32 $0x1  }
0xbe: {  	_ =	sfence.sel $0xFFFF  }
0xbf: {  	[dreg:$0x0] =	wrdreg $0xFFFFFFFF;
	(pc) =	sbr.abs _section_cstart, $3  }
0xc0: {  	[dreg:$0x1] =	wrdreg $0xFFFFFFFF  }
0xc1: {  	_ =	task.clear_ibuf [dreg:s6], $0x2FFFF;
	_ =	strace $0x9FFFFFFF  }
0xc2: {  	(tm) =	ssettm $0x7FFFFFFF  }
0xc3: {  	_ =	shalt  }
tec
execute0_lowered:
.L_overlay_start_1:
0x0: {  	(tag) =	ssettag $0x1  }
0x1: {  	s5 =	rddreg [dreg:$0x0]  }
0x2: {  	s1 =	rddreg [dreg:$0x1]  }
0x3: {  	s2 =	srdreg.scid;
	s0 =	rddreg [dreg:$0x2]  }
0x4: {  	s3 =	simm.s32 $0x0;
	s9 =	sand.u32 $0x1, s2;
	s2 =	stileid.u32  }
0x5: {  	[smem:$0x7FF] =	sst s3;
	s8 =	smul.u32 $0x4E000, s2  }
0x6: {  	s11 =	sadd.s32 $0x73A00, s5;
	s4 =	sshll.u32 s9, $0x4;
	s13 =	smul.u32 $0x138800, s9  }
0x7: {  	_ =	strace $0x8000004D;
	s7 =	ssub.s32 $0x2, s9;
	s14 =	smul.u32 $0x13800, s2  }
0x8: {  	p0 =	seq.s32 s9, $0x0;
	s9 =	simm.s32 $0x40;
	s4 =	sor.u32 s2, s4  }
0x9: {  	s29 =	sshrl.u32 s7, $0x1;
	s9 =	simm.s32 @!p0 $0x5D;
	p0 =	sne.s32 s2, $0xF  }
0xa: {  	s6 =	smul.u32 $0x600, s4;
	s4 =	sadd.s32 $0x3800, s5;
	s12 =	ssub.s32 s7, s29  }
0xb: {  	s30 =	sshrl.u32 s8, $0x2;
	s31 =	sadd.s32 s14, s13;
	s13 =	sshrl.u32 s13, $0x3  }
0xc: {  	s14 =	simm.s32 $0x2;
	s13 =	sadd.s32 s11, s13;
	s12 =	smax.u32 s12, $0x1  }
0xd: {  	s10 =	sadd.s32 s6, s5;
	s5 =	sadd.s32 s30, s1;
	s6 =	sadd.s32 $0x138000, s1  }
0xe: {  	s7 =	sadd.s32 $0x5BA00, s10;
	s8 =	sadd.s32 $0x67A00, s10;
	s10 =	sshrl.u32 s31, $0x3  }
0xf: {  	v0 =	vimm.f32 $0.0e+00;
	s10 =	sadd.s32 s11, s10;
	s11 =	sadd.s32 $0x27000, s13;
	s13 =	simm.s32 $0xA000  }
.LBB2_1:
0x10: {  	s15 =	simm.s32 $0x0;
	s16 =	simm.s32 $0x200  }
.LBB2_2:
0x11: {  	p1 =	sne.s32 s16, $0x1E00;
	[tilespmem:s15+$0xA070] =	vst v0  }
0x12: {  	[tilespmem:s15+$0xA000] =	vst v0  }
0x13: {  	[tilespmem:s15+$0xA010] =	vst v0  }
.Ltmp0:
0x14: {  	[tilespmem:s15+$0xA020] =	vst v0;
	(pc) =	sbr.rel @p1 .LBB2_2-.Ltmp0, $4  }
0x15: {  	[tilespmem:s15+$0xA030] =	vst v0  }
0x16: {  	[tilespmem:s15+$0xA040] =	vst v0  }
0x17: {  	[tilespmem:s15+$0xA050] =	vst v0  }
0x18: {  	[tilespmem:s15+$0xA060] =	vst v0;
	s15 =	sshra.s32 s16, $0x2;
	s16 =	sadd.s32 $0x200, s16  }
0x19: {  	[tilespmem:s15+$0xA070] =	vst v0  }
0x1a: {  	[tilespmem:s15+$0xA000] =	vst v0  }
0x1b: {  	[tilespmem:s15+$0xA010] =	vst v0  }
0x1c: {  	[tilespmem:s15+$0xA020] =	vst v0  }
0x1d: {  	[tilespmem:s15+$0xA030] =	vst v0  }
0x1e: {  	[tilespmem:s15+$0xA040] =	vst v0  }
0x1f: {  	[tilespmem:s15+$0xA050] =	vst v0  }
0x20: {  	[tilespmem:s15+$0xA060] =	vst v0;
	s31 =	sadd.s32 $0x0, s5  }
0x21: {  	[spmem:s31] =	stream.linear.scatter [tilespmem:s13], [sflag:$0x2], $0x800, $0x38;
	[tilespmem:$0x1E0C0] =	vst v63  }
0x22: {  	s15 =	simm.s32 $0x2000;
	_ =	swait.ge [sflag:s14], $0x800  }
.LBB2_4:
0x23: {  	s16 =	sshra.s32 s15, $0x2;
	[sflag:s14] =	ssyncset.done $0x0;
	p1 =	sne.s32 s15, $0x4C000  }
.Ltmp1:
0x24: {  	s16 =	sadd.s32 s16, s5;
	[sflag:s14] =	ssyncadd.s32 $0xFFFFF800;
	(pc) =	sbr.rel @p1 .LBB2_4-.Ltmp1, $3  }
0x25: {  	[spmem:s16] =	stream.linear.scatter [tilespmem:s13], [sflag:$0x2], $0x800, $0x38;
	[tilespmem:$0x1E0C0] =	vst v63  }
0x26: {  	s15 =	sadd.s32 $0x2000, s15;
	_ =	sdelay $0x1  }
0x27: {  	_ =	swait.ge [sflag:s14], $0x800  }
0x28: {  	[sflag:s14] =	ssyncset.done $0x0  }
0x29: {  	s15 =	simm.s32 @!p0 $0xA000;
	[sflag:s14] =	ssyncadd.s32 $0xFFFFF800  }
0x2a: {  	[spmem:s6] =	stream.linear.scatter @!p0 [tilespmem:s15], [sflag:$0x2], $0x800, $0x38;
	[tilespmem:$0x1E0C0] =	vst v63  }
0x2b: {  	s15 =	simm.s32 @!p0 $0x2  }
0x2c: {  	_ =	swait.ge @!p0 [sflag:s15], $0x800  }
0x2d: {  	[sflag:s15] =	ssyncset.done @!p0 $0x0  }
0x2e: {  	[sflag:s15] =	ssyncadd.s32 @!p0 $0xFFFFF800  }
0x2f: {  	s15 =	simm.s32 $0x0;
	[bflag:$0x0] =	sbarrier.arrive $0xFFFF  }
0x30: {  	[tilespmem:s15], [sflag:$0x2] =	stream.linear.gather [hbm4b:s7+s15], $0x2E80, $0x38;
	[tilespmem:$0x1E0C0] =	vst v63  }
0x31: {  	_ =	swait.ge [sflag:s14], $0x2E80  }
0x32: {  	[sflag:s14] =	ssyncset.done $0x0  }
0x33: {  	s16 =	simm.s32 $0x3000;
	[sflag:s14] =	ssyncadd.s32 $0xFFFFD180  }
0x34: {  	[tilespmem:s16], [sflag:$0x2] =	stream.linear.gather [hbm4b:s8+s15], $0x2E80, $0x38;
	[tilespmem:$0x1E0C0] =	vst v63  }
0x35: {  	p1 =	sle.u32 s9, $0x0;
	_ =	swait.ge [sflag:s14], $0x2E80  }
0x36: {  	s17 =	simm.s32 @!p1 $0x80;
	[sflag:s14] =	ssyncset.done $0x0  }
0x37: {  	s18 =	simm.s32 @!p1 $0x6000;
	s19 =	simm.s32 @!p1 $0x1;
	[sflag:s14] =	ssyncadd.s32 $0xFFFFD180  }
0x38: {  	[tilespmem:s18], [sflag:$0x1] =	stream.indirect.gather @!p1 [hbm4b:s4+s17], $0x80, s15, s17, $0xb8;
	[tilespmem:$0x1E0C0] =	vst v63  }
0x39: {  	_ =	swait.ge @!p1 [sflag:s19], $0x4000  }
0x3a: {  	[sflag:s19] =	ssyncset.done @!p1 $0x0;
	p1 =	por p1, p1  }
0x3b: {  	[sflag:s19] =	ssyncadd.s32 @!p1 $0xFFFFC000  }
0x3c: {  	[spmem:s1] =	stream.indirect.scatter.add.f32 @!p1 [tilespmem:s18], [sflag:$0x2], $0x80, s16, s17, $0xb8;
	[tilespmem:$0x1E0C0] =	vst v63  }
0x3d: {  	p2 =	sle.u32 s9, $0x1;
	s15 =	simm.s32 $0x3080;
	s18 =	simm.s32 @!p1 $0x2  }
0x3e: {  	s17 =	simm.s32 $0x2;
	s16 =	simm.s32 $0x80;
	_ =	swait.ge @!p1 [sflag:s18], $0x4000  }
.LBB2_6:
0x3f: {  	s19 =	simm.s32 @!p2 $0x80;
	s20 =	simm.s32 @!p2 $0x6000;
	[sflag:s18] =	ssyncset.done @!p1 $0x0  }
0x40: {  	s21 =	smov.u32 s17;
	s22 =	smov.u32 s15;
	s17 =	sadd.s32 $0x1, s17  }
0x41: {  	s23 =	simm.s32 @!p2 $0x1;
	[sflag:s18] =	ssyncadd.s32 @!p1 $0xFFFFC000;
	p3 =	sne.s32 s17, $0x5D  }
0x42: {  	[tilespmem:s20], [sflag:$0x1] =	stream.indirect.gather @!p2 [hbm4b:s4+s19], $0x80, s16, s19, $0xb8;
	[tilespmem:$0x1E0C0] =	vst v63  }
.Ltmp2:
0x43: {  	_ =	swait.ge @!p2 [sflag:s23], $0x4000;
	(pc) =	sbr.rel @p3 .LBB2_6-.Ltmp2, $4  }
0x44: {  	p1 =	por p2, p2;
	[sflag:s23] =	ssyncset.done @!p2 $0x0  }
0x45: {  	s15 =	sadd.s32 $0x80, s15;
	s18 =	simm.s32 @!p1 $0x2;
	[sflag:s23] =	ssyncadd.s32 @!p1 $0xFFFFC000  }
0x46: {  	[spmem:s1] =	stream.indirect.scatter.add.f32 @!p1 [tilespmem:s20], [sflag:$0x2], $0x80, s22, s19, $0xb8;
	[tilespmem:$0x1E0C0] =	vst v63  }
0x47: {  	s16 =	sadd.s32 $0x80, s16;
	p2 =	sge.u32 s21, s9;
	_ =	swait.ge @!p1 [sflag:s18], $0x4000  }
0x48: {  	s17 =	simm.s32 @!p2 $0x80;
	[sflag:s18] =	ssyncset.done @!p1 $0x0  }
0x49: {  	s19 =	simm.s32 @!p2 $0x6000;
	s20 =	simm.s32 @!p2 $0x1;
	[sflag:s18] =	ssyncadd.s32 @!p1 $0xFFFFC000  }
0x4a: {  	[tilespmem:s19], [sflag:$0x1] =	stream.indirect.gather @!p2 [hbm4b:s4+s17], $0x80, s16, s17, $0xb8;
	[tilespmem:$0x1E0C0] =	vst v63  }
0x4b: {  	_ =	swait.ge @!p2 [sflag:s20], $0x4000  }
0x4c: {  	p1 =	por p2, p2;
	[sflag:s20] =	ssyncset.done @!p2 $0x0  }
0x4d: {  	s16 =	simm.s32 @!p1 $0x2;
	[sflag:s20] =	ssyncadd.s32 @!p1 $0xFFFFC000  }
0x4e: {  	[spmem:s1] =	stream.indirect.scatter.add.f32 @!p1 [tilespmem:s19], [sflag:$0x2], $0x80, s15, s17, $0xb8;
	[tilespmem:$0x1E0C0] =	vst v63  }
0x4f: {  	_ =	swait.ge @!p1 [sflag:s16], $0x4000  }
0x50: {  	[sflag:s16] =	ssyncset.done @!p1 $0x0  }
0x51: {  	s30 =	sshll.u32 s2, $0x6;
	[sflag:s16] =	ssyncadd.s32 @!p1 $0xFFFFC000  }
0x52: {  	s31 =	sshrl.u32 s5, $0x3;
	s15 =	sor.u32 $0x1C02, s30;
	[bflag:$0x0] =	sbarrier.arrive $0xFFFF  }
0x53: {  	[hbm:s10], [sflag:s15] =	dma.local [spmem:s31], $0x2700  }
0x54: {  	_ =	swait.ge [sflag:s14], $0x2700  }
0x55: {  	s3 =	sadd.s32 $0x1, s3;
	[sflag:s14] =	ssyncset.done $0x0  }
0x56: {  	s16 =	sshrl.u32 @!p0 s6, $0x3;
	p1 =	sne.s32 s3, s12;
	[sflag:s14] =	ssyncadd.s32 $0xFFFFD900  }
0x57: {  	[hbm:s11], [sflag:s15] =	dma.local @!p0 [spmem:s16], $0x100  }
.Ltmp3:
0x58: {  	_ = 	snop;
	(pc) =	sbr.rel @p1 .LBB2_1-.Ltmp3, $4  }
0x59: {  	s15 =	simm.s32 @!p0 $0x2  }
0x5a: {  	_ =	swait.ge @!p0 [sflag:s15], $0x100  }
0x5b: {  	[sflag:s15] =	ssyncset.done @!p0 $0x0  }
0x5c: {  	[sflag:s15] =	ssyncadd.s32 @!p0 $0xFFFFFF00  }
0x5d: {  	_ =	sfence.sel $0x180000  }
0x5e: {  	[bflag:$0x0] =	sbarrier.arrive $0xFFFF  }
0x5f: {  	p0 =	sne.s32 s2, $0x0;
	_ =	strace $0x9000004D  }
0x60: {  	s0 =	sadd.s32 @!p0 $0x100000, s0;
	[bflag:$0x2] =	sbarrier.arrive $0xFFFF  }
0x61: {  	[sflag:s0] =	ssyncadd.tile.s32 @!p0 $0x1;
	_ =	shalt  }
.Lfunc_end2:
_tile_overlayer_lowered:
.L_overlay_start_2:
0x62: {  	(tag) =	ssettag $0x2  }
0x63: {  	s0 =	rddreg [dreg:$0x0];
	s2 =	stileid.u32  }
0x64: {  	s1 =	rddreg [dreg:$0x1];
	p0 =	sne.s32 s2, $0x0  }
0x65: {  	s3 =	rddreg [dreg:$0x2];
	[bflag:$0x3] =	sbarrier.arrive $0xFFFF;
	s2 =	simm.s32 @!p0 $0x1C02  }
0x66: {  	[timem:s3], [sflag:s2] =	dma.local @!p0 [hbm:s0], s1  }
0x67: {  	s0 =	simm.s32 @!p0 $0x2  }
0x68: {  	_ =	swait.ge @!p0 [sflag:s0], s1  }
0x69: {  	s1 =	ssub.s32 @!p0 $0x0, s1;
	[sflag:s0] =	ssyncset.done @!p0 $0x0  }
0x6a: {  	[sflag:s0] =	ssyncadd.s32 @!p0 s1  }
0x6b: {  	[bflag:$0x3] =	sbarrier.arrive $0xFFFF  }
0x6c: {  	_ =	shalt  }

// kernel: kernel.20.cloned.1.call-start
scs
__scs_entry_jumppad:
0x0: {  	(pc) =	sbr.rel $0x88, $3  }
0x1: {  	(tag) =	ssettag $0x0;
	lr =	simm.s32 $0x1  }
0x2: {  	[smem:$0x3F96] =	sst lr;
	_ =	strace $0xD0000000  }
0x3: {  	_ = 	snop  }
0x4: {  	_ = 	snop  }
0x5: {  	_ = 	snop  }
0x6: {  	_ = 	snop  }
0x7: {  	_ = 	snop  }
__scs_overlays_trampoline_lowered:
0x8: {  	[smem:$0x3FA5] =	sst s0  }
0x9: {  	[smem:$0x3FA6] =	sst s1  }
0xa: {  	[smem:$0x3FA7] =	sst s2  }
0xb: {  	[smem:$0x3FA8] =	sst s3  }
0xc: {  	[smem:$0x3FA9] =	sst s4  }
0xd: {  	[smem:$0x3FAA] =	sst s5  }
0xe: {  	[smem:$0x3FAB] =	sst s6  }
0xf: {  	[smem:$0x3FAC] =	sst s7  }
0x10: {  	[smem:$0x3FAD] =	sst s8  }
0x11: {  	[smem:$0x3FAE] =	sst s9;
	s0 =	simm.s32 @!p0 $0x0  }
0x12: {  	s1 =	sld [smem:$0x3F94];
	s0 =	simm.s32 @p0 $0x1  }
0x13: {  	[smem:$0x3FAF] =	sst s0;
	s0 =	simm.s32 @!p1 $0x0  }
0x14: {  	s2 =	sld [smem:$0x3F93];
	s0 =	simm.s32 @p1 $0x1  }
0x15: {  	[smem:$0x3FB0] =	sst s0;
	s0 =	simm.s32 @!p2 $0x0  }
0x16: {  	s3 =	sld [smem:$0x3FDB];
	s0 =	simm.s32 @p2 $0x1  }
0x17: {  	s4 =	simm.s32 $0x1BF5;
	[smem:$0x3FB2] =	sst s0  }
0x18: {  	s0 =	sld [smem:$0x3F95];
	_ =	swait.ge [sflag:s4], $0x0  }
0x19: {  	s7 =	sld [smem:$0x3F96]  }
0x1a: {  	s8 =	sadd.s32 $0xFFFFE003, lr  }
0x1b: {  	s9 =	sadd.s32 $0xFFFFFEF7, lr;
	s5 =	simm.s32 $0xFFFFFFFF;
	p2 =	slt.u32 s8, $0xFFFFF086  }
0x1c: {  	p1 =	slt.u32 s9, $0xF7A;
	s5 =	simm.s32 @!p2 $0x0  }
0x1d: {  	s5 =	simm.s32 @p1 $0x1;
	p0 =	seq.s32 s7, s2  }
0x1e: {  	s7 =	smul.u32 @!p0 $0xF7A, s2;
	p2 =	seq.s32 @!p0 s5, $0x0  }
0x1f: {  	s9 =	smul.u32 $0xF7A, s1;
	s8 =	simm.s32 @!p0 $0x1BF5;
	p2 =	por !p2, p0  }
0x20: {  	[sflag:s8] =	ssyncset.s32 @!p0 $0xFFFFF086;
	s6 =	sadd.s32 @!p0 s3, s7;
	s7 =	simm.s32 @!p0 $0x108  }
0x21: {  	s3 =	sadd.s32 s3, s9;
	s6 =	sadd.s32 @!p0 $0x88, s6;
	s7 =	simm.s32 @p2 $0x1082  }
0x22: {  	[simem:s7], [sflag:s8] =	dma.local @!p0 [hbm:s6], $0xF7A  }
0x23: {  	s9 =	sor.u32 $0xD0000000, s2;
	s6 =	simm.s32 $0x108;
	_ =	swait.ge @!p0 [sflag:s8], $0x0  }
0x24: {  	s3 =	sadd.s32 $0x88, s3;
	s6 =	simm.s32 @!p1 $0x1082;
	[sflag:s4] =	ssyncset.s32 $0xFFFFF086  }
0x25: {  	[simem:s6], [sflag:s4] =	dma.local [hbm:s3], $0xF7A  }
0x26: {  	[smem:$0x3F96] =	sst s1;
	(tag) =	ssettag s2;
	_ =	strace s9  }
0x27: {  	s1 =	sld [smem:$0x3FA6]  }
0x28: {  	s2 =	sld [smem:$0x3FA7]  }
0x29: {  	s4 =	sld [smem:$0x3FA9]  }
0x2a: {  	p0 =	seq.s32 s5, $0x0;
	s5 =	sld [smem:$0x3FAA]  }
0x2b: {  	s6 =	sld [smem:$0x3FAB]  }
0x2c: {  	s7 =	sld [smem:$0x3FAC]  }
0x2d: {  	s3 =	simm.s32 $0x108;
	s8 =	sld [smem:$0x3FAD]  }
0x2e: {  	s3 =	simm.s32 @!p0 $0x1082;
	s9 =	sld [smem:$0x3FAE]  }
0x2f: {  	lr =	sadd.s32 s0, s3;
	s0 =	sld [smem:$0x3FA5]  }
0x30: {  	s3 =	sld [smem:$0x3FA8]  }
0x31: {  	[smem:$0x3FB1] =	sst s10  }
0x32: {  	s10 =	sld [smem:$0x3FAF];
	_ =	sdelay $0x3  }
0x33: {  	p0 =	seq.s32 s10, $0x1;
	s10 =	sld [smem:$0x3FB1];
	_ =	sdelay $0x3  }
0x34: {  	[smem:$0x3FB1] =	sst s10  }
0x35: {  	s10 =	sld [smem:$0x3FB0];
	_ =	sdelay $0x3  }
0x36: {  	p1 =	seq.s32 s10, $0x1;
	s10 =	sld [smem:$0x3FB1];
	_ =	sdelay $0x3  }
0x37: {  	[smem:$0x3FB1] =	sst s10  }
0x38: {  	s10 =	sld [smem:$0x3FB2]  }
0x39: {  	_ = 	snop;
	(pc) =	sbr.ind lr, $3  }
0x3a: {  	_ = 	snop  }
0x3b: {  	_ = 	snop  }
0x3c: {  	p2 =	seq.s32 s10, $0x1;
	s10 =	sld [smem:$0x3FB1]  }
0x3d: {  	_ =	shalt  }
0x3e: {  	_ =	shalt  }
0x3f: {  	_ =	shalt  }
0x40: {  	_ =	shalt  }
0x41: {  	_ =	shalt  }
0x42: {  	_ =	shalt  }
0x43: {  	_ =	shalt  }
0x44: {  	_ =	shalt  }
0x45: {  	_ =	shalt  }
0x46: {  	_ =	shalt  }
0x47: {  	_ =	shalt  }
0x48: {  	_ =	shalt  }
0x49: {  	_ =	shalt  }
0x4a: {  	_ =	shalt  }
0x4b: {  	_ =	shalt  }
0x4c: {  	_ =	shalt  }
0x4d: {  	_ =	shalt  }
0x4e: {  	_ =	shalt  }
0x4f: {  	_ =	shalt  }
0x50: {  	_ =	shalt  }
0x51: {  	_ =	shalt  }
0x52: {  	_ =	shalt  }
0x53: {  	_ =	shalt  }
0x54: {  	_ =	shalt  }
0x55: {  	_ =	shalt  }
0x56: {  	_ =	shalt  }
0x57: {  	_ =	shalt  }
0x58: {  	_ =	shalt  }
0x59: {  	_ =	shalt  }
0x5a: {  	_ =	shalt  }
0x5b: {  	_ =	shalt  }
0x5c: {  	_ =	shalt  }
0x5d: {  	_ =	shalt  }
0x5e: {  	_ =	shalt  }
0x5f: {  	_ =	shalt  }
0x60: {  	_ =	shalt  }
0x61: {  	_ =	shalt  }
0x62: {  	_ =	shalt  }
0x63: {  	_ =	shalt  }
0x64: {  	_ =	shalt  }
0x65: {  	_ =	shalt  }
0x66: {  	_ =	shalt  }
0x67: {  	_ =	shalt  }
0x68: {  	_ =	shalt  }
0x69: {  	_ =	shalt  }
0x6a: {  	_ =	shalt  }
0x6b: {  	_ =	shalt  }
0x6c: {  	_ =	shalt  }
0x6d: {  	_ =	shalt  }
0x6e: {  	_ =	shalt  }
0x6f: {  	_ =	shalt  }
0x70: {  	_ =	shalt  }
0x71: {  	_ =	shalt  }
0x72: {  	_ =	shalt  }
0x73: {  	_ =	shalt  }
0x74: {  	_ =	shalt  }
0x75: {  	_ =	shalt  }
0x76: {  	_ =	shalt  }
0x77: {  	_ =	shalt  }
0x78: {  	_ =	shalt  }
0x79: {  	_ =	shalt  }
0x7a: {  	_ =	shalt  }
0x7b: {  	_ =	shalt  }
0x7c: {  	_ =	shalt  }
0x7d: {  	_ =	shalt  }
0x7e: {  	_ =	shalt  }
0x7f: {  	_ =	shalt  }
0x80: {  	_ =	shalt  }
0x81: {  	_ =	shalt  }
0x82: {  	_ =	shalt  }
0x83: {  	_ =	shalt  }
0x84: {  	_ =	shalt  }
0x85: {  	_ =	shalt  }
0x86: {  	_ =	shalt  }
0x87: {  	_ =	shalt  }
.Lfunc_end0:
.L_simem_size_0:
called_computation.3_lowered:
.L_overlay_start_0:
0x88: {  	s2 =	sld [smem:$0x3FD9]  }
0x89: {  	s3 =	sld [smem:$0x3FFE];
	_ =	sdelay $0x1  }
0x8a: {  	s1 =	srdreg.scid  }
0x8b: {  	s0 =	sand.u32 $0x1, s1  }
0x8c: {  	s16 =	sshll.u32 s0, $0xA;
	s2 =	sadd.s32 s3, s2  }
0x8d: {  	s2 =	sadd.s32 s2, s16  }
0x8e: {  	[smem:$0x3FBD] =	sst s2  }
0x8f: {  	_ = 	snop  }
0x90: {  	(tm) =	ssettm $0x1  }
0x91: {  	s17 =	sld [smem:$0x3FFB];
	_ =	sdelay $0x3  }
0x92: {  	_ =	strace s17  }
0x93: {  	s2 =	sld [smem:$0x3FFC];
	_ =	sdelay $0x3  }
0x94: {  	_ =	strace s2  }
0x95: {  	s2 =	sld [smem:$0x3FFD];
	_ =	sdelay $0x3  }
0x96: {  	_ =	strace s2  }
0x97: {  	_ =	strace $0x8FFFFFFF  }
0x98: {  	s18 =	sld [smem:$0x3FDB];
	_ =	sdelay $0x1  }
0x99: {  	s19 =	simm.s32 $_scs_section_size  }
0x9a: {  	s4 =	simm.s32 $_size__tile_overlayer_lowered;
	s5 =	simm.s32 $_tile_overlayer_lowered  }
0x9b: {  	s22 =	simm.s32 $0x1BFF;
	s21 =	sshll.u32 s5, $0x1;
	s2 =	sadd.s32 s19, s18  }
0x9c: {  	s6 =	simm.s32 $0x0;
	s20 =	sshll.u32 s4, $0x1;
	s4 =	sadd.s32 s21, s2  }
0x9d: {  	[timem:s6], [sflag:s22] =	dma.local [hbm:s4], s20  }
0x9e: {  	_ =	swait.ge [sflag:s22], s20  }
0x9f: {  	s3 =	ssub.s32 $0x0, s20;
	[sflag:s22] =	ssyncset.done $0x0  }
0xa0: {  	[sflag:s22] =	ssyncadd.s32 s3;
	_ =	sdelay $0x1  }
0xa1: {  	s23 =	simm.s32 $0x1B8B  }
0xa2: {  	_ =	swait.ge [sflag:s23], $0x1  }
0xa3: {  	[sflag:s23] =	ssyncset.done $0x0  }
0xa4: {  	s25 =	simm.s32 $0x1B8E;
	s24 =	sld [smem:$0x3FFE];
	[sflag:s23] =	ssyncadd.s32 $0xFFFFFFFF  }
0xa5: {  	s26 =	simm.s32 $execute0_lowered;
	[smem:$0x3FD2] =	sst s25  }
0xa6: {  	s4 =	sshll.u32 s26, $0x1;
	_ =	strace $0x8000004F;
	[dreg:$0x1] =	wrdreg $0xFFFFFFFF  }
0xa7: {  	s28 =	simm.s32 $_size_execute0_lowered;
	s2 =	sadd.s32 s2, s4;
	[dreg:$0x0] =	wrdreg $0x0  }
0xa8: {  	s4 =	sshll.u32 s28, $0x1;
	[dreg:$0x2] =	wrdreg s2  }
0xa9: {  	[dreg:$0x3] =	wrdreg s4  }
0xaa: {  	[dreg:$0x4] =	wrdreg $0xC0  }
0xab: {  	_ =	task [dreg:s6], $0x5FFFF  }
0xac: {  	[dreg:$0x1] =	wrdreg $0xFFFFFFFF  }
0xad: {  	[dreg:$0x0] =	wrdreg $0x60  }
0xae: {  	[dreg:$0x2] =	wrdreg s24  }
0xaf: {  	[dreg:$0x3] =	wrdreg $0xA8000  }
0xb0: {  	[dreg:$0x4] =	wrdreg $0x9  }
0xb1: {  	_ =	task.clear_ibuf [dreg:s6], $0x5FFFF;
	_ =	strace $0x9000004F  }
0xb2: {  	s29 =	simm.s32 $0x9;
	_ =	strace $0x80000051  }
0xb3: {  	_ =	swait.ge [sflag:s29], $0x1  }
0xb4: {  	[sflag:s29] =	ssyncadd.s32 $0xFFFFFFFF  }
0xb5: {  	_ =	strace $0x90000051  }
0xb6: {  	_ =	sfence  }
0xb7: {  	s30 =	sld [smem:$0x0];
	_ =	sdelay $0x2  }
0xb8: {  	s31 =	sshll.u32 s1, $0xD;
	s1 =	sshrl.u32 s1, $0x2  }
0xb9: {  	s3 =	sand.u32 $0x4000, s31;
	s1 =	sadd.s32 s1, s30  }
0xba: {  	s0 =	sor.u32 s3, s0;
	s1 =	sshll.u32 s1, $0x11  }
0xbb: {  	s0 =	sor.u32 s1, s0  }
0xbc: {  	s0 =	sadd.s32 $0x8F2B, s0  }
0xbd: {  	[sflag:s0] =	ssyncadd.remote.s32 $0x1  }
0xbe: {  	_ =	sfence.sel $0xFFFF  }
0xbf: {  	[dreg:$0x0] =	wrdreg $0xFFFFFFFF;
	(pc) =	sbr.abs _section_cstart, $3  }
0xc0: {  	[dreg:$0x1] =	wrdreg $0xFFFFFFFF  }
0xc1: {  	_ =	task.clear_ibuf [dreg:s6], $0x2FFFF;
	_ =	strace $0x9FFFFFFF  }
0xc2: {  	(tm) =	ssettm $0x7FFFFFFF  }
0xc3: {  	_ =	shalt  }
tec
execute0_lowered:
.L_overlay_start_1:
0x0: {  	(tag) =	ssettag $0x1  }
0x1: {  	s5 =	rddreg [dreg:$0x0]  }
0x2: {  	s1 =	rddreg [dreg:$0x1]  }
0x3: {  	s2 =	srdreg.scid;
	s0 =	rddreg [dreg:$0x2]  }
0x4: {  	s3 =	simm.s32 $0x0;
	s9 =	sand.u32 $0x1, s2;
	s2 =	stileid.u32  }
0x5: {  	[smem:$0x7FF] =	sst s3;
	s8 =	smul.u32 $0x4E000, s2  }
0x6: {  	s11 =	sadd.s32 $0x73A00, s5;
	s4 =	sshll.u32 s9, $0x4;
	s13 =	smul.u32 $0x138800, s9  }
0x7: {  	_ =	strace $0x80000050;
	s7 =	ssub.s32 $0x2, s9;
	s14 =	smul.u32 $0x13800, s2  }
0x8: {  	p0 =	seq.s32 s9, $0x0;
	s9 =	simm.s32 $0x40;
	s4 =	sor.u32 s2, s4  }
0x9: {  	s29 =	sshrl.u32 s7, $0x1;
	s9 =	simm.s32 @!p0 $0x5D;
	p0 =	sne.s32 s2, $0xF  }
0xa: {  	s6 =	smul.u32 $0x600, s4;
	s4 =	sadd.s32 $0x3800, s5;
	s12 =	ssub.s32 s7, s29  }
0xb: {  	s30 =	sshrl.u32 s8, $0x2;
	s31 =	sadd.s32 s14, s13;
	s13 =	sshrl.u32 s13, $0x3  }
0xc: {  	s14 =	simm.s32 $0x2;
	s13 =	sadd.s32 s11, s13;
	s12 =	smax.u32 s12, $0x1  }
0xd: {  	s10 =	sadd.s32 s6, s5;
	s5 =	sadd.s32 s30, s1;
	s6 =	sadd.s32 $0x138000, s1  }
0xe: {  	s7 =	sadd.s32 $0x5BA00, s10;
	s8 =	sadd.s32 $0x67A00, s10;
	s10 =	sshrl.u32 s31, $0x3  }
0xf: {  	v0 =	vimm.f32 $0.0e+00;
	s10 =	sadd.s32 s11, s10;
	s11 =	sadd.s32 $0x27000, s13;
	s13 =	simm.s32 $0xA000  }
.LBB2_1:
0x10: {  	s15 =	simm.s32 $0x0;
	s16 =	simm.s32 $0x200  }
.LBB2_2:
0x11: {  	p1 =	sne.s32 s16, $0x1E00;
	[tilespmem:s15+$0xA070] =	vst v0  }
0x12: {  	[tilespmem:s15+$0xA000] =	vst v0  }
0x13: {  	[tilespmem:s15+$0xA010] =	vst v0  }
.Ltmp0:
0x14: {  	[tilespmem:s15+$0xA020] =	vst v0;
	(pc) =	sbr.rel @p1 .LBB2_2-.Ltmp0, $4  }
0x15: {  	[tilespmem:s15+$0xA030] =	vst v0  }
0x16: {  	[tilespmem:s15+$0xA040] =	vst v0  }
0x17: {  	[tilespmem:s15+$0xA050] =	vst v0  }
0x18: {  	[tilespmem:s15+$0xA060] =	vst v0;
	s15 =	sshra.s32 s16, $0x2;
	s16 =	sadd.s32 $0x200, s16  }
0x19: {  	[tilespmem:s15+$0xA070] =	vst v0  }
0x1a: {  	[tilespmem:s15+$0xA000] =	vst v0  }
0x1b: {  	[tilespmem:s15+$0xA010] =	vst v0  }
0x1c: {  	[tilespmem:s15+$0xA020] =	vst v0  }
0x1d: {  	[tilespmem:s15+$0xA030] =	vst v0  }
0x1e: {  	[tilespmem:s15+$0xA040] =	vst v0  }
0x1f: {  	[tilespmem:s15+$0xA050] =	vst v0  }
0x20: {  	[tilespmem:s15+$0xA060] =	vst v0;
	s31 =	sadd.s32 $0x0, s5  }
0x21: {  	[spmem:s31] =	stream.linear.scatter [tilespmem:s13], [sflag:$0x2], $0x800, $0x38;
	[tilespmem:$0x1E0C0] =	vst v63  }
0x22: {  	s15 =	simm.s32 $0x2000;
	_ =	swait.ge [sflag:s14], $0x800  }
.LBB2_4:
0x23: {  	s16 =	sshra.s32 s15, $0x2;
	[sflag:s14] =	ssyncset.done $0x0;
	p1 =	sne.s32 s15, $0x4C000  }
.Ltmp1:
0x24: {  	s16 =	sadd.s32 s16, s5;
	[sflag:s14] =	ssyncadd.s32 $0xFFFFF800;
	(pc) =	sbr.rel @p1 .LBB2_4-.Ltmp1, $3  }
0x25: {  	[spmem:s16] =	stream.linear.scatter [tilespmem:s13], [sflag:$0x2], $0x800, $0x38;
	[tilespmem:$0x1E0C0] =	vst v63  }
0x26: {  	s15 =	sadd.s32 $0x2000, s15;
	_ =	sdelay $0x1  }
0x27: {  	_ =	swait.ge [sflag:s14], $0x800  }
0x28: {  	[sflag:s14] =	ssyncset.done $0x0  }
0x29: {  	s15 =	simm.s32 @!p0 $0xA000;
	[sflag:s14] =	ssyncadd.s32 $0xFFFFF800  }
0x2a: {  	[spmem:s6] =	stream.linear.scatter @!p0 [tilespmem:s15], [sflag:$0x2], $0x800, $0x38;
	[tilespmem:$0x1E0C0] =	vst v63  }
0x2b: {  	s15 =	simm.s32 @!p0 $0x2  }
0x2c: {  	_ =	swait.ge @!p0 [sflag:s15], $0x800  }
0x2d: {  	[sflag:s15] =	ssyncset.done @!p0 $0x0  }
0x2e: {  	[sflag:s15] =	ssyncadd.s32 @!p0 $0xFFFFF800  }
0x2f: {  	s15 =	simm.s32 $0x0;
	[bflag:$0x0] =	sbarrier.arrive $0xFFFF  }
0x30: {  	[tilespmem:s15], [sflag:$0x2] =	stream.linear.gather [hbm4b:s7+s15], $0x2E80, $0x38;
	[tilespmem:$0x1E0C0] =	vst v63  }
0x31: {  	_ =	swait.ge [sflag:s14], $0x2E80  }
0x32: {  	[sflag:s14] =	ssyncset.done $0x0  }
0x33: {  	s16 =	simm.s32 $0x3000;
	[sflag:s14] =	ssyncadd.s32 $0xFFFFD180  }
0x34: {  	[tilespmem:s16], [sflag:$0x2] =	stream.linear.gather [hbm4b:s8+s15], $0x2E80, $0x38;
	[tilespmem:$0x1E0C0] =	vst v63  }
0x35: {  	p1 =	sle.u32 s9, $0x0;
	_ =	swait.ge [sflag:s14], $0x2E80  }
0x36: {  	s17 =	simm.s32 @!p1 $0x80;
	[sflag:s14] =	ssyncset.done $0x0  }
0x37: {  	s18 =	simm.s32 @!p1 $0x6000;
	s19 =	simm.s32 @!p1 $0x1;
	[sflag:s14] =	ssyncadd.s32 $0xFFFFD180  }
0x38: {  	[tilespmem:s18], [sflag:$0x1] =	stream.indirect.gather @!p1 [hbm4b:s4+s17], $0x80, s15, s17, $0xb8;
	[tilespmem:$0x1E0C0] =	vst v63  }
0x39: {  	_ =	swait.ge @!p1 [sflag:s19], $0x4000  }
0x3a: {  	[sflag:s19] =	ssyncset.done @!p1 $0x0;
	p1 =	por p1, p1  }
0x3b: {  	[sflag:s19] =	ssyncadd.s32 @!p1 $0xFFFFC000  }
0x3c: {  	[spmem:s1] =	stream.indirect.scatter.add.f32 @!p1 [tilespmem:s18], [sflag:$0x2], $0x80, s16, s17, $0xb8;
	[tilespmem:$0x1E0C0] =	vst v63  }
0x3d: {  	p2 =	sle.u32 s9, $0x1;
	s15 =	simm.s32 $0x3080;
	s18 =	simm.s32 @!p1 $0x2  }
0x3e: {  	s17 =	simm.s32 $0x2;
	s16 =	simm.s32 $0x80;
	_ =	swait.ge @!p1 [sflag:s18], $0x4000  }
.LBB2_6:
0x3f: {  	s19 =	simm.s32 @!p2 $0x80;
	s20 =	simm.s32 @!p2 $0x6000;
	[sflag:s18] =	ssyncset.done @!p1 $0x0  }
0x40: {  	s21 =	smov.u32 s17;
	s22 =	smov.u32 s15;
	s17 =	sadd.s32 $0x1, s17  }
0x41: {  	s23 =	simm.s32 @!p2 $0x1;
	[sflag:s18] =	ssyncadd.s32 @!p1 $0xFFFFC000;
	p3 =	sne.s32 s17, $0x5D  }
0x42: {  	[tilespmem:s20], [sflag:$0x1] =	stream.indirect.gather @!p2 [hbm4b:s4+s19], $0x80, s16, s19, $0xb8;
	[tilespmem:$0x1E0C0] =	vst v63  }
.Ltmp2:
0x43: {  	_ =	swait.ge @!p2 [sflag:s23], $0x4000;
	(pc) =	sbr.rel @p3 .LBB2_6-.Ltmp2, $4  }
0x44: {  	p1 =	por p2, p2;
	[sflag:s23] =	ssyncset.done @!p2 $0x0  }
0x45: {  	s15 =	sadd.s32 $0x80, s15;
	s18 =	simm.s32 @!p1 $0x2;
	[sflag:s23] =	ssyncadd.s32 @!p1 $0xFFFFC000  }
0x46: {  	[spmem:s1] =	stream.indirect.scatter.add.f32 @!p1 [tilespmem:s20], [sflag:$0x2], $0x80, s22, s19, $0xb8;
	[tilespmem:$0x1E0C0] =	vst v63  }
0x47: {  	s16 =	sadd.s32 $0x80, s16;
	p2 =	sge.u32 s21, s9;
	_ =	swait.ge @!p1 [sflag:s18], $0x4000  }
0x48: {  	s17 =	simm.s32 @!p2 $0x80;
	[sflag:s18] =	ssyncset.done @!p1 $0x0  }
0x49: {  	s19 =	simm.s32 @!p2 $0x6000;
	s20 =	simm.s32 @!p2 $0x1;
	[sflag:s18] =	ssyncadd.s32 @!p1 $0xFFFFC000  }
0x4a: {  	[tilespmem:s19], [sflag:$0x1] =	stream.indirect.gather @!p2 [hbm4b:s4+s17], $0x80, s16, s17, $0xb8;
	[tilespmem:$0x1E0C0] =	vst v63  }
0x4b: {  	_ =	swait.ge @!p2 [sflag:s20], $0x4000  }
0x4c: {  	p1 =	por p2, p2;
	[sflag:s20] =	ssyncset.done @!p2 $0x0  }
0x4d: {  	s16 =	simm.s32 @!p1 $0x2;
	[sflag:s20] =	ssyncadd.s32 @!p1 $0xFFFFC000  }
0x4e: {  	[spmem:s1] =	stream.indirect.scatter.add.f32 @!p1 [tilespmem:s19], [sflag:$0x2], $0x80, s15, s17, $0xb8;
	[tilespmem:$0x1E0C0] =	vst v63  }
0x4f: {  	_ =	swait.ge @!p1 [sflag:s16], $0x4000  }
0x50: {  	[sflag:s16] =	ssyncset.done @!p1 $0x0  }
0x51: {  	s30 =	sshll.u32 s2, $0x6;
	[sflag:s16] =	ssyncadd.s32 @!p1 $0xFFFFC000  }
0x52: {  	s31 =	sshrl.u32 s5, $0x3;
	s15 =	sor.u32 $0x1C02, s30;
	[bflag:$0x0] =	sbarrier.arrive $0xFFFF  }
0x53: {  	[hbm:s10], [sflag:s15] =	dma.local [spmem:s31], $0x2700  }
0x54: {  	_ =	swait.ge [sflag:s14], $0x2700  }
0x55: {  	s3 =	sadd.s32 $0x1, s3;
	[sflag:s14] =	ssyncset.done $0x0  }
0x56: {  	s16 =	sshrl.u32 @!p0 s6, $0x3;
	p1 =	sne.s32 s3, s12;
	[sflag:s14] =	ssyncadd.s32 $0xFFFFD900  }
0x57: {  	[hbm:s11], [sflag:s15] =	dma.local @!p0 [spmem:s16], $0x100  }
.Ltmp3:
0x58: {  	_ = 	snop;
	(pc) =	sbr.rel @p1 .LBB2_1-.Ltmp3, $4  }
0x59: {  	s15 =	simm.s32 @!p0 $0x2  }
0x5a: {  	_ =	swait.ge @!p0 [sflag:s15], $0x100  }
0x5b: {  	[sflag:s15] =	ssyncset.done @!p0 $0x0  }
0x5c: {  	[sflag:s15] =	ssyncadd.s32 @!p0 $0xFFFFFF00  }
0x5d: {  	_ =	sfence.sel $0x180000  }
0x5e: {  	[bflag:$0x0] =	sbarrier.arrive $0xFFFF  }
0x5f: {  	p0 =	sne.s32 s2, $0x0;
	_ =	strace $0x90000050  }
0x60: {  	s0 =	sadd.s32 @!p0 $0x100000, s0;
	[bflag:$0x2] =	sbarrier.arrive $0xFFFF  }
0x61: {  	[sflag:s0] =	ssyncadd.tile.s32 @!p0 $0x1;
	_ =	shalt  }
.Lfunc_end2:
_tile_overlayer_lowered:
.L_overlay_start_2:
0x62: {  	(tag) =	ssettag $0x2  }
0x63: {  	s0 =	rddreg [dreg:$0x0];
	s2 =	stileid.u32  }
0x64: {  	s1 =	rddreg [dreg:$0x1];
	p0 =	sne.s32 s2, $0x0  }
0x65: {  	s3 =	rddreg [dreg:$0x2];
	[bflag:$0x3] =	sbarrier.arrive $0xFFFF;
	s2 =	simm.s32 @!p0 $0x1C02  }
0x66: {  	[timem:s3], [sflag:s2] =	dma.local @!p0 [hbm:s0], s1  }
0x67: {  	s0 =	simm.s32 @!p0 $0x2  }
0x68: {  	_ =	swait.ge @!p0 [sflag:s0], s1  }
0x69: {  	s1 =	ssub.s32 @!p0 $0x0, s1;
	[sflag:s0] =	ssyncset.done @!p0 $0x0  }
0x6a: {  	[sflag:s0] =	ssyncadd.s32 @!p0 s1  }
0x6b: {  	[bflag:$0x3] =	sbarrier.arrive $0xFFFF  }
0x6c: {  	_ =	shalt  }

</sc_bundles>
